<compile_context>
chip_gen: v7x
topology: tpu7x:2x2x1
jax: 0.10.2.dev20260603
libtpu: 0.0.44.dev20260713+nightly
codegen_flags: <defaults>
</compile_context>

<pallas_src>
import functools

import jax
import jax.numpy as jnp
from jax import lax
from jax.experimental import pallas as pl
from jax.experimental.pallas import tpu as pltpu
from jax.experimental.pallas import tpu_sc as plsc

N_NODES = 10000
N_EDGES = 160000
D_IN = 256
D_OUT = 256
DH = D_IN // 2
NS = 16
EPS = N_EDGES // NS
CH = 112
NCHUNK = 90
EPSP = NCHUNK * CH
NPAD = EPSP - EPS
X_PAD = 16
ROWS0 = 624
ROWS_LAST = N_NODES - 15 * ROWS0

_mesh = plsc.VectorSubcoreMesh(core_axis_name="c", subcore_axis_name="s")


@functools.partial(
    pl.kernel,
    mesh=_mesh,
    out_type=(
        jax.ShapeDtypeStruct((N_NODES, DH), jnp.float32),
        jax.ShapeDtypeStruct((N_NODES, DH), jnp.float32),
    ),
    scratch_types=[
        pltpu.VMEM((EPSP,), jnp.int32),
        pltpu.VMEM((NCHUNK, CH), jnp.int32),
        pltpu.VMEM((CH, DH), jnp.float32),
        pltpu.VMEM((CH, DH), jnp.float32),
        pltpu.VMEM_SHARED((N_NODES, DH), jnp.float32),
        pltpu.SemaphoreType.DMA,
        pltpu.SemaphoreType.DMA,
    ],
)
def _scatter_sum(x_l, x_r, src_p, dst_p, h_l, h_r, src_v, dst_v,
                 rows0_v, rows1_v, h_sh, sem0, sem1):
    c = lax.axis_index("c")
    s = lax.axis_index("s")
    base = pl.multiple_of(s * ROWS0, 8)

    def zbody(r, carry):
        z = jnp.zeros((16,), jnp.float32)
        for k in range(DH // 16):
            rows0_v[r, pl.ds(16 * k, 16)] = z
        return carry

    lax.fori_loop(0, CH, zbody, 0)
    for t in range(5):
        pltpu.sync_copy(rows0_v, h_sh.at[pl.ds(base + t * CH, CH)])

    @pl.when(s < 15)
    def _():
        pltpu.sync_copy(rows0_v.at[pl.ds(0, ROWS0 - 5 * CH)],
                        h_sh.at[pl.ds(base + 5 * CH, ROWS0 - 5 * CH)])

    @pl.when(s == 15)
    def _():
        pltpu.sync_copy(rows0_v.at[pl.ds(0, ROWS_LAST - 5 * CH)],
                        h_sh.at[pl.ds(15 * ROWS0 + 5 * CH,
                                      ROWS_LAST - 5 * CH)])

    pltpu.sync_copy(src_p.at[s], src_v)
    pltpu.sync_copy(dst_p.at[s], dst_v)
    plsc.subcore_barrier()

    def _run(x_hbm):
        def sidx(k):
            return src_v.at[pl.ds(pl.multiple_of(k * CH, 8), CH)]

        pltpu.async_copy(x_hbm.at[sidx(0)], rows0_v, sem0)
        pltpu.async_copy(x_hbm.at[sidx(1)], rows1_v, sem1)

        def body(j, carry):
            a = 2 * j
            pltpu.make_async_copy(x_hbm.at[pl.ds(0, CH)], rows0_v, sem0).wait()
            pltpu.sync_copy(rows0_v, h_sh.at[dst_v.at[a]], add=True)

            @pl.when(j < NCHUNK // 2 - 1)
            def _():
                pltpu.async_copy(x_hbm.at[sidx(a + 2)], rows0_v, sem0)

            pltpu.make_async_copy(x_hbm.at[pl.ds(0, CH)], rows1_v, sem1).wait()
            pltpu.sync_copy(rows1_v, h_sh.at[dst_v.at[a + 1]], add=True)

            @pl.when(j < NCHUNK // 2 - 1)
            def _():
                pltpu.async_copy(x_hbm.at[sidx(a + 3)], rows1_v, sem1)
            return carry

        lax.fori_loop(0, NCHUNK // 2, body, 0)

    @pl.when(c == 0)
    def _():
        _run(x_l)

    @pl.when(c == 1)
    def _():
        _run(x_r)

    plsc.subcore_barrier()

    h_out = [h_l, h_r]
    for ci, h_hbm in enumerate(h_out):
        @pl.when((c == ci) & (s < 15))
        def _(h_hbm=h_hbm):
            row = pl.ds(base, ROWS0)
            pltpu.sync_copy(h_sh.at[row], h_hbm.at[row])

        @pl.when((c == ci) & (s == 15))
        def _(h_hbm=h_hbm):
            row = pl.ds(15 * ROWS0, ROWS_LAST)
            pltpu.sync_copy(h_sh.at[row], h_hbm.at[row])


BR = 2000


def _mm_body(hl_ref, hr_ref, wl_ref, wr_ref, b_ref, o_ref):
    acc = lax.dot_general(hl_ref[...], wl_ref[...],
                          (((1,), (1,)), ((), ())),
                          preferred_element_type=jnp.float32)
    acc = acc + lax.dot_general(hr_ref[...], wr_ref[...],
                                (((1,), (1,)), ((), ())),
                                preferred_element_type=jnp.float32)
    o_ref[...] = jnp.maximum(acc + b_ref[...], 0.0)


_matmul = pl.pallas_call(
    _mm_body,
    grid=(N_NODES // BR,),
    in_specs=[
        pl.BlockSpec((BR, DH), lambda i: (i, 0)),
        pl.BlockSpec((BR, DH), lambda i: (i, 0)),
        pl.BlockSpec((D_OUT, DH), lambda i: (0, 0)),
        pl.BlockSpec((D_OUT, DH), lambda i: (0, 0)),
        pl.BlockSpec((1, D_OUT), lambda i: (0, 0)),
    ],
    out_specs=pl.BlockSpec((BR, D_OUT), lambda i: (i, 0)),
    out_shape=jax.ShapeDtypeStruct((N_NODES, D_OUT), jnp.float32),
)


def kernel(x, edge_index, W, b):
    xz = jnp.zeros((X_PAD, DH), jnp.float32)
    x_l = jnp.concatenate([x[:, :DH], xz], axis=0)
    x_r = jnp.concatenate([x[:, DH:], xz], axis=0)
    pad_src = jnp.broadcast_to(
        N_NODES + (jnp.arange(NPAD, dtype=jnp.int32) % X_PAD), (NS, NPAD))
    pad_dst = jnp.zeros((NS, NPAD), jnp.int32)
    src_p = jnp.concatenate(
        [edge_index[0].reshape(NS, EPS), pad_src], axis=1)
    dst_p = jnp.concatenate(
        [edge_index[1].reshape(NS, EPS), pad_dst], axis=1).reshape(
            NS, NCHUNK, CH)
    h_l, h_r = _scatter_sum(x_l, x_r, src_p, dst_p)
    w_l = W[:, :DH]
    w_r = W[:, DH:]
    return _matmul(h_l, h_r, w_l, w_r, b.reshape(1, D_OUT))

# --- scband reference (transcript-rebuilt; emitter-appended) ---
"""Pipeline reference for scband-gcnlayer-37460704756474 (READ-ONLY COPY).

The authoritative reference and input builder live on the scoring server;
editing this copy changes nothing except your own understanding.
"""

import jax, jax.numpy as jnp
import numpy as np

N_NODES = 10000
N_EDGES = 160000
D_IN = 256
D_OUT = 256


def setup_inputs(seed: int = 0) -> dict:
    key = jax.random.key(seed)
    k1, k2, k3, k4 = jax.random.split(key, 4)
    x = jax.random.normal(k1, (N_NODES, D_IN), dtype=jnp.float32)
    edge_index = jax.random.randint(k2, (2, N_EDGES), 0, N_NODES, dtype=jnp.int32)
    bound = 1.0 / np.sqrt(D_IN)
    W = jax.random.uniform(k3, (D_OUT, D_IN), minval=-bound, maxval=bound, dtype=jnp.float32)
    b = jax.random.uniform(k4, (D_OUT,), minval=-bound, maxval=bound, dtype=jnp.float32)
    return {"x": x, "edge_index": edge_index, "W": W, "b": b}


def reference(x, edge_index, W, b):
    # DGL GCNLayer semantics:
    #   send: msg = src['x']  (gather source-node features per edge)
    #   recv: x  = sum of mailbox msgs per destination node (scatter-add)
    #   then: x  = relu(linear(x))
    src = edge_index[0]
    dst = edge_index[1]
    msg = jnp.take(x, src, axis=0)                      # [E, D_IN] gather
    h = jax.ops.segment_sum(msg, dst, num_segments=N_NODES)  # [N, D_IN] scatter-add
    out = h @ W.T + b                                   # nn.Linear
    out = jax.nn.relu(out)                              # nn.ReLU
    return out

if __name__ == "__main__":
    import jax
    _d = setup_inputs()
    print(jax.jit(kernel)(*tuple(_d.values())))

</pallas_src>

<mosaic_0001>
#map = affine_map<(d0, d1) -> (0, 0)>
#map1 = affine_map<(d0, d1) -> (0, 0, 0)>
module attributes {stable_mosaic.version = 14 : i64} {
  func.func @_scatter_sum(%arg0: i32, %arg1: i32, %arg2: memref<10016x128xf32, #tpu.memory_space<hbm>>, %arg3: memref<10016x128xf32, #tpu.memory_space<hbm>>, %arg4: memref<16x10080xi32, #tpu.memory_space<hbm>>, %arg5: memref<16x90x112xi32, #tpu.memory_space<hbm>>, %arg6: memref<10000x128xf32, #tpu.memory_space<hbm>>, %arg7: memref<10000x128xf32, #tpu.memory_space<hbm>>, %arg8: memref<10080xi32, #tpu.memory_space<vmem>>, %arg9: memref<90x112xi32, #tpu.memory_space<vmem>>, %arg10: memref<112x128xf32, #tpu.memory_space<vmem>>, %arg11: memref<112x128xf32, #tpu.memory_space<vmem>>, %arg12: memref<10000x128xf32, #tpu.memory_space<vmem_shared>>, %arg13: memref<!tpu.dma_semaphore, #tpu.memory_space<semaphore_mem>>, %arg14: memref<!tpu.dma_semaphore, #tpu.memory_space<semaphore_mem>>) attributes {dimension_semantics = [#tpu.dimension_semantics<core_parallel>, #tpu.dimension_semantics<subcore_parallel>], iteration_bounds = array<i64: 2, 16>, scalar_prefetch = 0 : i64, scratch_operands = 7 : i64, tpu.core_type = #tpu.core_type<sc_vector_subcore>, window_params = [{transform_indices = #map}, {transform_indices = #map}, {transform_indices = #map}, {transform_indices = #map1}, {transform_indices = #map}, {transform_indices = #map}]} {
    %mul3A = arith.constant 624 : i32
    %mul3A_0 = arith.muli %arg1, %mul3A : i32
    %multiple_of3A = tpu.assume_multiple %mul3A_0, 8 : i32
    %scan3A = arith.constant 0 : i32
    %scan3A_1 = arith.constant 0 : i32
    %scan3A_2 = arith.constant 112 : i32
    %scan3A_3 = arith.addi %scan3A_1, %scan3A_2 : i32
    %scan3A_4 = arith.constant 1 : i32
    scf.for %scan3A_63 = %scan3A_1 to %scan3A_3 step %scan3A_4  : i32 {
      %broadcast_in_dim3A = arith.constant 0.000000e+00 : f32
      %broadcast_in_dim3A_64 = vector.broadcast %broadcast_in_dim3A : f32 to vector<16xf32>
      %swap3A = arith.index_cast %scan3A_63 : i32 to index
      %swap3A_65 = arith.constant 0 : index
      %swap3A_66 = tpu.vector_load %arg10[%swap3A, %swap3A_65] {strides = array<i32>} : memref<112x128xf32, #tpu.memory_space<vmem>>, vector<1x16xf32>,
      %swap3A_67 = vector.shape_cast %swap3A_66 : vector<1x16xf32> to vector<16xf32>
      %swap3A_68 = vector.shape_cast %broadcast_in_dim3A_64 : vector<16xf32> to vector<1x16xf32>
      tpu.vector_store %arg10[%swap3A, %swap3A_65], %swap3A_68 {strides = array<i32>} : memref<112x128xf32, #tpu.memory_space<vmem>>, vector<1x16xf32>,
      %swap3A_69 = arith.index_cast %scan3A_63 : i32 to index
      %swap3A_70 = arith.constant 16 : index
      %swap3A_71 = tpu.vector_load %arg10[%swap3A_69, %swap3A_70] {strides = array<i32>} : memref<112x128xf32, #tpu.memory_space<vmem>>, vector<1x16xf32>,
      %swap3A_72 = vector.shape_cast %swap3A_71 : vector<1x16xf32> to vector<16xf32>
      %swap3A_73 = vector.shape_cast %broadcast_in_dim3A_64 : vector<16xf32> to vector<1x16xf32>
      tpu.vector_store %arg10[%swap3A_69, %swap3A_70], %swap3A_73 {strides = array<i32>} : memref<112x128xf32, #tpu.memory_space<vmem>>, vector<1x16xf32>,
      %swap3A_74 = arith.index_cast %scan3A_63 : i32 to index
      %swap3A_75 = arith.constant 32 : index
      %swap3A_76 = tpu.vector_load %arg10[%swap3A_74, %swap3A_75] {strides = array<i32>} : memref<112x128xf32, #tpu.memory_space<vmem>>, vector<1x16xf32>,
      %swap3A_77 = vector.shape_cast %swap3A_76 : vector<1x16xf32> to vector<16xf32>
      %swap3A_78 = vector.shape_cast %broadcast_in_dim3A_64 : vector<16xf32> to vector<1x16xf32>
      tpu.vector_store %arg10[%swap3A_74, %swap3A_75], %swap3A_78 {strides = array<i32>} : memref<112x128xf32, #tpu.memory_space<vmem>>, vector<1x16xf32>,
      %swap3A_79 = arith.index_cast %scan3A_63 : i32 to index
      %swap3A_80 = arith.constant 48 : index
      %swap3A_81 = tpu.vector_load %arg10[%swap3A_79, %swap3A_80] {strides = array<i32>} : memref<112x128xf32, #tpu.memory_space<vmem>>, vector<1x16xf32>,
      %swap3A_82 = vector.shape_cast %swap3A_81 : vector<1x16xf32> to vector<16xf32>
      %swap3A_83 = vector.shape_cast %broadcast_in_dim3A_64 : vector<16xf32> to vector<1x16xf32>
      tpu.vector_store %arg10[%swap3A_79, %swap3A_80], %swap3A_83 {strides = array<i32>} : memref<112x128xf32, #tpu.memory_space<vmem>>, vector<1x16xf32>,
      %swap3A_84 = arith.index_cast %scan3A_63 : i32 to index
      %swap3A_85 = arith.constant 64 : index
      %swap3A_86 = tpu.vector_load %arg10[%swap3A_84, %swap3A_85] {strides = array<i32>} : memref<112x128xf32, #tpu.memory_space<vmem>>, vector<1x16xf32>,
      %swap3A_87 = vector.shape_cast %swap3A_86 : vector<1x16xf32> to vector<16xf32>
      %swap3A_88 = vector.shape_cast %broadcast_in_dim3A_64 : vector<16xf32> to vector<1x16xf32>
      tpu.vector_store %arg10[%swap3A_84, %swap3A_85], %swap3A_88 {strides = array<i32>} : memref<112x128xf32, #tpu.memory_space<vmem>>, vector<1x16xf32>,
      %swap3A_89 = arith.index_cast %scan3A_63 : i32 to index
      %swap3A_90 = arith.constant 80 : index
      %swap3A_91 = tpu.vector_load %arg10[%swap3A_89, %swap3A_90] {strides = array<i32>} : memref<112x128xf32, #tpu.memory_space<vmem>>, vector<1x16xf32>,
      %swap3A_92 = vector.shape_cast %swap3A_91 : vector<1x16xf32> to vector<16xf32>
      %swap3A_93 = vector.shape_cast %broadcast_in_dim3A_64 : vector<16xf32> to vector<1x16xf32>
      tpu.vector_store %arg10[%swap3A_89, %swap3A_90], %swap3A_93 {strides = array<i32>} : memref<112x128xf32, #tpu.memory_space<vmem>>, vector<1x16xf32>,
      %swap3A_94 = arith.index_cast %scan3A_63 : i32 to index
      %swap3A_95 = arith.constant 96 : index
      %swap3A_96 = tpu.vector_load %arg10[%swap3A_94, %swap3A_95] {strides = array<i32>} : memref<112x128xf32, #tpu.memory_space<vmem>>, vector<1x16xf32>,
      %swap3A_97 = vector.shape_cast %swap3A_96 : vector<1x16xf32> to vector<16xf32>
      %swap3A_98 = vector.shape_cast %broadcast_in_dim3A_64 : vector<16xf32> to vector<1x16xf32>
      tpu.vector_store %arg10[%swap3A_94, %swap3A_95], %swap3A_98 {strides = array<i32>} : memref<112x128xf32, #tpu.memory_space<vmem>>, vector<1x16xf32>,
      %swap3A_99 = arith.index_cast %scan3A_63 : i32 to index
      %swap3A_100 = arith.constant 112 : index
      %swap3A_101 = tpu.vector_load %arg10[%swap3A_99, %swap3A_100] {strides = array<i32>} : memref<112x128xf32, #tpu.memory_space<vmem>>, vector<1x16xf32>,
      %swap3A_102 = vector.shape_cast %swap3A_101 : vector<1x16xf32> to vector<16xf32>
      %swap3A_103 = vector.shape_cast %broadcast_in_dim3A_64 : vector<16xf32> to vector<1x16xf32>
      tpu.vector_store %arg10[%swap3A_99, %swap3A_100], %swap3A_103 {strides = array<i32>} : memref<112x128xf32, #tpu.memory_space<vmem>>, vector<1x16xf32>,
    }
    %scan3A_5 = arith.constant 112 : i32
    %add3A = arith.constant 0 : i32
    %add3A_6 = arith.addi %multiple_of3A, %add3A : i32
    "tpu.region"() ({
      %run_scoped3A = tpu.sem_alloc : memref<!tpu.dma_semaphore, #tpu.memory_space<semaphore_mem>>
      %dma_start3A = arith.constant 0 : i32
      %dma_start3A_63 = tpu.memref_slice %arg12[%add3A_6, %dma_start3A] : memref<10000x128xf32, #tpu.memory_space<vmem_shared>> -> memref<112x128xf32, #tpu.memory_space<vmem_shared>>
      %dma_start3A_64 = arith.constant 0 : i32
      %dma_start3A_65 = tpu.memref_slice %arg12[%add3A_6, %dma_start3A_64] : memref<10000x128xf32, #tpu.memory_space<vmem_shared>> -> memref<112x128xf32, #tpu.memory_space<vmem_shared>>
      tpu.enqueue_dma source(%arg10 : memref<112x128xf32, #tpu.memory_space<vmem>>) target(%dma_start3A_65 : memref<112x128xf32, #tpu.memory_space<vmem_shared>>) target_semaphore(%run_scoped3A : memref<!tpu.dma_semaphore, #tpu.memory_space<semaphore_mem>>)
      %dma_wait3A = arith.constant 0 : i32
      %dma_wait3A_66 = tpu.memref_slice %arg12[%add3A_6, %dma_wait3A] : memref<10000x128xf32, #tpu.memory_space<vmem_shared>> -> memref<112x128xf32, #tpu.memory_space<vmem_shared>>
      %dma_wait3A_67 = arith.constant 0 : i32
      %dma_wait3A_68 = tpu.memref_slice %arg12[%add3A_6, %dma_wait3A_67] : memref<10000x128xf32, #tpu.memory_space<vmem_shared>> -> memref<112x128xf32, #tpu.memory_space<vmem_shared>>
      tpu.wait_dma2 semaphore(%run_scoped3A : memref<!tpu.dma_semaphore, #tpu.memory_space<semaphore_mem>>) src(%arg10 : memref<112x128xf32, #tpu.memory_space<vmem>>) dst(%dma_wait3A_68 : memref<112x128xf32, #tpu.memory_space<vmem_shared>>)
      tpu.yield
    }) : () -> ()
    %add3A_7 = arith.constant 112 : i32
    %add3A_8 = arith.addi %multiple_of3A, %add3A_7 : i32
    "tpu.region"() ({
      %run_scoped3A = tpu.sem_alloc : memref<!tpu.dma_semaphore, #tpu.memory_space<semaphore_mem>>
      %dma_start3A = arith.constant 0 : i32
      %dma_start3A_63 = tpu.memref_slice %arg12[%add3A_8, %dma_start3A] : memref<10000x128xf32, #tpu.memory_space<vmem_shared>> -> memref<112x128xf32, #tpu.memory_space<vmem_shared>>
      %dma_start3A_64 = arith.constant 0 : i32
      %dma_start3A_65 = tpu.memref_slice %arg12[%add3A_8, %dma_start3A_64] : memref<10000x128xf32, #tpu.memory_space<vmem_shared>> -> memref<112x128xf32, #tpu.memory_space<vmem_shared>>
      tpu.enqueue_dma source(%arg10 : memref<112x128xf32, #tpu.memory_space<vmem>>) target(%dma_start3A_65 : memref<112x128xf32, #tpu.memory_space<vmem_shared>>) target_semaphore(%run_scoped3A : memref<!tpu.dma_semaphore, #tpu.memory_space<semaphore_mem>>)
      %dma_wait3A = arith.constant 0 : i32
      %dma_wait3A_66 = tpu.memref_slice %arg12[%add3A_8, %dma_wait3A] : memref<10000x128xf32, #tpu.memory_space<vmem_shared>> -> memref<112x128xf32, #tpu.memory_space<vmem_shared>>
      %dma_wait3A_67 = arith.constant 0 : i32
      %dma_wait3A_68 = tpu.memref_slice %arg12[%add3A_8, %dma_wait3A_67] : memref<10000x128xf32, #tpu.memory_space<vmem_shared>> -> memref<112x128xf32, #tpu.memory_space<vmem_shared>>
      tpu.wait_dma2 semaphore(%run_scoped3A : memref<!tpu.dma_semaphore, #tpu.memory_space<semaphore_mem>>) src(%arg10 : memref<112x128xf32, #tpu.memory_space<vmem>>) dst(%dma_wait3A_68 : memref<112x128xf32, #tpu.memory_space<vmem_shared>>)
      tpu.yield
    }) : () -> ()
    %add3A_9 = arith.constant 224 : i32
    %add3A_10 = arith.addi %multiple_of3A, %add3A_9 : i32
    "tpu.region"() ({
      %run_scoped3A = tpu.sem_alloc : memref<!tpu.dma_semaphore, #tpu.memory_space<semaphore_mem>>
      %dma_start3A = arith.constant 0 : i32
      %dma_start3A_63 = tpu.memref_slice %arg12[%add3A_10, %dma_start3A] : memref<10000x128xf32, #tpu.memory_space<vmem_shared>> -> memref<112x128xf32, #tpu.memory_space<vmem_shared>>
      %dma_start3A_64 = arith.constant 0 : i32
      %dma_start3A_65 = tpu.memref_slice %arg12[%add3A_10, %dma_start3A_64] : memref<10000x128xf32, #tpu.memory_space<vmem_shared>> -> memref<112x128xf32, #tpu.memory_space<vmem_shared>>
      tpu.enqueue_dma source(%arg10 : memref<112x128xf32, #tpu.memory_space<vmem>>) target(%dma_start3A_65 : memref<112x128xf32, #tpu.memory_space<vmem_shared>>) target_semaphore(%run_scoped3A : memref<!tpu.dma_semaphore, #tpu.memory_space<semaphore_mem>>)
      %dma_wait3A = arith.constant 0 : i32
      %dma_wait3A_66 = tpu.memref_slice %arg12[%add3A_10, %dma_wait3A] : memref<10000x128xf32, #tpu.memory_space<vmem_shared>> -> memref<112x128xf32, #tpu.memory_space<vmem_shared>>
      %dma_wait3A_67 = arith.constant 0 : i32
      %dma_wait3A_68 = tpu.memref_slice %arg12[%add3A_10, %dma_wait3A_67] : memref<10000x128xf32, #tpu.memory_space<vmem_shared>> -> memref<112x128xf32, #tpu.memory_space<vmem_shared>>
      tpu.wait_dma2 semaphore(%run_scoped3A : memref<!tpu.dma_semaphore, #tpu.memory_space<semaphore_mem>>) src(%arg10 : memref<112x128xf32, #tpu.memory_space<vmem>>) dst(%dma_wait3A_68 : memref<112x128xf32, #tpu.memory_space<vmem_shared>>)
      tpu.yield
    }) : () -> ()
    %add3A_11 = arith.constant 336 : i32
    %add3A_12 = arith.addi %multiple_of3A, %add3A_11 : i32
    "tpu.region"() ({
      %run_scoped3A = tpu.sem_alloc : memref<!tpu.dma_semaphore, #tpu.memory_space<semaphore_mem>>
      %dma_start3A = arith.constant 0 : i32
      %dma_start3A_63 = tpu.memref_slice %arg12[%add3A_12, %dma_start3A] : memref<10000x128xf32, #tpu.memory_space<vmem_shared>> -> memref<112x128xf32, #tpu.memory_space<vmem_shared>>
      %dma_start3A_64 = arith.constant 0 : i32
      %dma_start3A_65 = tpu.memref_slice %arg12[%add3A_12, %dma_start3A_64] : memref<10000x128xf32, #tpu.memory_space<vmem_shared>> -> memref<112x128xf32, #tpu.memory_space<vmem_shared>>
      tpu.enqueue_dma source(%arg10 : memref<112x128xf32, #tpu.memory_space<vmem>>) target(%dma_start3A_65 : memref<112x128xf32, #tpu.memory_space<vmem_shared>>) target_semaphore(%run_scoped3A : memref<!tpu.dma_semaphore, #tpu.memory_space<semaphore_mem>>)
      %dma_wait3A = arith.constant 0 : i32
      %dma_wait3A_66 = tpu.memref_slice %arg12[%add3A_12, %dma_wait3A] : memref<10000x128xf32, #tpu.memory_space<vmem_shared>> -> memref<112x128xf32, #tpu.memory_space<vmem_shared>>
      %dma_wait3A_67 = arith.constant 0 : i32
      %dma_wait3A_68 = tpu.memref_slice %arg12[%add3A_12, %dma_wait3A_67] : memref<10000x128xf32, #tpu.memory_space<vmem_shared>> -> memref<112x128xf32, #tpu.memory_space<vmem_shared>>
      tpu.wait_dma2 semaphore(%run_scoped3A : memref<!tpu.dma_semaphore, #tpu.memory_space<semaphore_mem>>) src(%arg10 : memref<112x128xf32, #tpu.memory_space<vmem>>) dst(%dma_wait3A_68 : memref<112x128xf32, #tpu.memory_space<vmem_shared>>)
      tpu.yield
    }) : () -> ()
    %add3A_13 = arith.constant 448 : i32
    %add3A_14 = arith.addi %multiple_of3A, %add3A_13 : i32
    "tpu.region"() ({
      %run_scoped3A = tpu.sem_alloc : memref<!tpu.dma_semaphore, #tpu.memory_space<semaphore_mem>>
      %dma_start3A = arith.constant 0 : i32
      %dma_start3A_63 = tpu.memref_slice %arg12[%add3A_14, %dma_start3A] : memref<10000x128xf32, #tpu.memory_space<vmem_shared>> -> memref<112x128xf32, #tpu.memory_space<vmem_shared>>
      %dma_start3A_64 = arith.constant 0 : i32
      %dma_start3A_65 = tpu.memref_slice %arg12[%add3A_14, %dma_start3A_64] : memref<10000x128xf32, #tpu.memory_space<vmem_shared>> -> memref<112x128xf32, #tpu.memory_space<vmem_shared>>
      tpu.enqueue_dma source(%arg10 : memref<112x128xf32, #tpu.memory_space<vmem>>) target(%dma_start3A_65 : memref<112x128xf32, #tpu.memory_space<vmem_shared>>) target_semaphore(%run_scoped3A : memref<!tpu.dma_semaphore, #tpu.memory_space<semaphore_mem>>)
      %dma_wait3A = arith.constant 0 : i32
      %dma_wait3A_66 = tpu.memref_slice %arg12[%add3A_14, %dma_wait3A] : memref<10000x128xf32, #tpu.memory_space<vmem_shared>> -> memref<112x128xf32, #tpu.memory_space<vmem_shared>>
      %dma_wait3A_67 = arith.constant 0 : i32
      %dma_wait3A_68 = tpu.memref_slice %arg12[%add3A_14, %dma_wait3A_67] : memref<10000x128xf32, #tpu.memory_space<vmem_shared>> -> memref<112x128xf32, #tpu.memory_space<vmem_shared>>
      tpu.wait_dma2 semaphore(%run_scoped3A : memref<!tpu.dma_semaphore, #tpu.memory_space<semaphore_mem>>) src(%arg10 : memref<112x128xf32, #tpu.memory_space<vmem>>) dst(%dma_wait3A_68 : memref<112x128xf32, #tpu.memory_space<vmem_shared>>)
      tpu.yield
    }) : () -> ()
    %lt3A = arith.constant 15 : i32
    %lt3A_15 = arith.cmpi slt, %arg1, %lt3A : i32
    %convert_element_type3A = arith.extui %lt3A_15 : i1 to i32
    %cond3A = arith.constant 0 : i32
    %cond3A_16 = arith.cmpi ne, %convert_element_type3A, %cond3A : i32
    scf.if %cond3A_16 {
      %add3A_63 = arith.constant 560 : i32
      %add3A_64 = arith.addi %multiple_of3A, %add3A_63 : i32
      "tpu.region"() ({
        %run_scoped3A = tpu.sem_alloc : memref<!tpu.dma_semaphore, #tpu.memory_space<semaphore_mem>>
        %dma_start3A = arith.constant 0 : i32
        %dma_start3A_65 = arith.constant 0 : i32
        %dma_start3A_66 = tpu.memref_slice %arg10[%dma_start3A, %dma_start3A_65] : memref<112x128xf32, #tpu.memory_space<vmem>> -> memref<64x128xf32, #tpu.memory_space<vmem>>
        %dma_start3A_67 = arith.constant 0 : i32
        %dma_start3A_68 = tpu.memref_slice %arg12[%add3A_64, %dma_start3A_67] : memref<10000x128xf32, #tpu.memory_space<vmem_shared>> -> memref<64x128xf32, #tpu.memory_space<vmem_shared>>
        %dma_start3A_69 = arith.constant 0 : i32
        %dma_start3A_70 = tpu.memref_slice %arg12[%add3A_64, %dma_start3A_69] : memref<10000x128xf32, #tpu.memory_space<vmem_shared>> -> memref<64x128xf32, #tpu.memory_space<vmem_shared>>
        %dma_start3A_71 = arith.constant 0 : i32
        %dma_start3A_72 = arith.constant 0 : i32
        %dma_start3A_73 = tpu.memref_slice %arg10[%dma_start3A_71, %dma_start3A_72] : memref<112x128xf32, #tpu.memory_space<vmem>> -> memref<64x128xf32, #tpu.memory_space<vmem>>
        tpu.enqueue_dma source(%dma_start3A_73 : memref<64x128xf32, #tpu.memory_space<vmem>>) target(%dma_start3A_70 : memref<64x128xf32, #tpu.memory_space<vmem_shared>>) target_semaphore(%run_scoped3A : memref<!tpu.dma_semaphore, #tpu.memory_space<semaphore_mem>>)
        %dma_wait3A = arith.constant 0 : i32
        %dma_wait3A_74 = arith.constant 0 : i32
        %dma_wait3A_75 = tpu.memref_slice %arg10[%dma_wait3A, %dma_wait3A_74] : memref<112x128xf32, #tpu.memory_space<vmem>> -> memref<64x128xf32, #tpu.memory_space<vmem>>
        %dma_wait3A_76 = arith.constant 0 : i32
        %dma_wait3A_77 = tpu.memref_slice %arg12[%add3A_64, %dma_wait3A_76] : memref<10000x128xf32, #tpu.memory_space<vmem_shared>> -> memref<64x128xf32, #tpu.memory_space<vmem_shared>>
        %dma_wait3A_78 = arith.constant 0 : i32
        %dma_wait3A_79 = tpu.memref_slice %arg12[%add3A_64, %dma_wait3A_78] : memref<10000x128xf32, #tpu.memory_space<vmem_shared>> -> memref<64x128xf32, #tpu.memory_space<vmem_shared>>
        %dma_wait3A_80 = arith.constant 0 : i32
        %dma_wait3A_81 = arith.constant 0 : i32
        %dma_wait3A_82 = tpu.memref_slice %arg10[%dma_wait3A_80, %dma_wait3A_81] : memref<112x128xf32, #tpu.memory_space<vmem>> -> memref<64x128xf32, #tpu.memory_space<vmem>>
        tpu.wait_dma2 semaphore(%run_scoped3A : memref<!tpu.dma_semaphore, #tpu.memory_space<semaphore_mem>>) src(%dma_wait3A_82 : memref<64x128xf32, #tpu.memory_space<vmem>>) dst(%dma_wait3A_79 : memref<64x128xf32, #tpu.memory_space<vmem_shared>>)
        tpu.yield
      }) : () -> ()
    } else {
    }
    %eq3A = arith.constant 15 : i32
    %eq3A_17 = arith.cmpi eq, %arg1, %eq3A : i32
    %convert_element_type3A_18 = arith.extui %eq3A_17 : i1 to i32
    %cond3A_19 = arith.constant 0 : i32
    %cond3A_20 = arith.cmpi ne, %convert_element_type3A_18, %cond3A_19 : i32
    scf.if %cond3A_20 {
      "tpu.region"() ({
        %run_scoped3A = tpu.sem_alloc : memref<!tpu.dma_semaphore, #tpu.memory_space<semaphore_mem>>
        %dma_start3A = arith.constant 0 : i32
        %dma_start3A_63 = arith.constant 0 : i32
        %dma_start3A_64 = tpu.memref_slice %arg10[%dma_start3A, %dma_start3A_63] : memref<112x128xf32, #tpu.memory_space<vmem>> -> memref<80x128xf32, #tpu.memory_space<vmem>>
        %dma_start3A_65 = arith.constant 9920 : i32
        %dma_start3A_66 = arith.constant 0 : i32
        %dma_start3A_67 = tpu.memref_slice %arg12[%dma_start3A_65, %dma_start3A_66] : memref<10000x128xf32, #tpu.memory_space<vmem_shared>> -> memref<80x128xf32, #tpu.memory_space<vmem_shared>>
        %dma_start3A_68 = arith.constant 9920 : i32
        %dma_start3A_69 = arith.constant 0 : i32
        %dma_start3A_70 = tpu.memref_slice %arg12[%dma_start3A_68, %dma_start3A_69] : memref<10000x128xf32, #tpu.memory_space<vmem_shared>> -> memref<80x128xf32, #tpu.memory_space<vmem_shared>>
        %dma_start3A_71 = arith.constant 0 : i32
        %dma_start3A_72 = arith.constant 0 : i32
        %dma_start3A_73 = tpu.memref_slice %arg10[%dma_start3A_71, %dma_start3A_72] : memref<112x128xf32, #tpu.memory_space<vmem>> -> memref<80x128xf32, #tpu.memory_space<vmem>>
        tpu.enqueue_dma source(%dma_start3A_73 : memref<80x128xf32, #tpu.memory_space<vmem>>) target(%dma_start3A_70 : memref<80x128xf32, #tpu.memory_space<vmem_shared>>) target_semaphore(%run_scoped3A : memref<!tpu.dma_semaphore, #tpu.memory_space<semaphore_mem>>)
        %dma_wait3A = arith.constant 0 : i32
        %dma_wait3A_74 = arith.constant 0 : i32
        %dma_wait3A_75 = tpu.memref_slice %arg10[%dma_wait3A, %dma_wait3A_74] : memref<112x128xf32, #tpu.memory_space<vmem>> -> memref<80x128xf32, #tpu.memory_space<vmem>>
        %dma_wait3A_76 = arith.constant 9920 : i32
        %dma_wait3A_77 = arith.constant 0 : i32
        %dma_wait3A_78 = tpu.memref_slice %arg12[%dma_wait3A_76, %dma_wait3A_77] : memref<10000x128xf32, #tpu.memory_space<vmem_shared>> -> memref<80x128xf32, #tpu.memory_space<vmem_shared>>
        %dma_wait3A_79 = arith.constant 9920 : i32
        %dma_wait3A_80 = arith.constant 0 : i32
        %dma_wait3A_81 = tpu.memref_slice %arg12[%dma_wait3A_79, %dma_wait3A_80] : memref<10000x128xf32, #tpu.memory_space<vmem_shared>> -> memref<80x128xf32, #tpu.memory_space<vmem_shared>>
        %dma_wait3A_82 = arith.constant 0 : i32
        %dma_wait3A_83 = arith.constant 0 : i32
        %dma_wait3A_84 = tpu.memref_slice %arg10[%dma_wait3A_82, %dma_wait3A_83] : memref<112x128xf32, #tpu.memory_space<vmem>> -> memref<80x128xf32, #tpu.memory_space<vmem>>
        tpu.wait_dma2 semaphore(%run_scoped3A : memref<!tpu.dma_semaphore, #tpu.memory_space<semaphore_mem>>) src(%dma_wait3A_84 : memref<80x128xf32, #tpu.memory_space<vmem>>) dst(%dma_wait3A_81 : memref<80x128xf32, #tpu.memory_space<vmem_shared>>)
        tpu.yield
      }) : () -> ()
    } else {
    }
    "tpu.region"() ({
      %run_scoped3A = tpu.sem_alloc : memref<!tpu.dma_semaphore, #tpu.memory_space<semaphore_mem>>
      %dma_start3A = arith.constant 0 : i32
      %dma_start3A_63 = tpu.memref_slice %arg4[%arg1, %dma_start3A] : memref<16x10080xi32, #tpu.memory_space<hbm>> -> memref<1x10080xi32, #tpu.memory_space<hbm>>
      %dma_start3A_64 = tpu.memref_squeeze %dma_start3A_63 : memref<1x10080xi32, #tpu.memory_space<hbm>> -> memref<10080xi32, #tpu.memory_space<hbm>>
      %dma_start3A_65 = arith.constant 0 : i32
      %dma_start3A_66 = tpu.memref_slice %arg4[%arg1, %dma_start3A_65] : memref<16x10080xi32, #tpu.memory_space<hbm>> -> memref<1x10080xi32, #tpu.memory_space<hbm>>
      %dma_start3A_67 = tpu.memref_squeeze %dma_start3A_66 : memref<1x10080xi32, #tpu.memory_space<hbm>> -> memref<10080xi32, #tpu.memory_space<hbm>>
      tpu.enqueue_dma source(%dma_start3A_67 : memref<10080xi32, #tpu.memory_space<hbm>>) target(%arg8 : memref<10080xi32, #tpu.memory_space<vmem>>) target_semaphore(%run_scoped3A : memref<!tpu.dma_semaphore, #tpu.memory_space<semaphore_mem>>)
      %dma_wait3A = arith.constant 0 : i32
      %dma_wait3A_68 = tpu.memref_slice %arg4[%arg1, %dma_wait3A] : memref<16x10080xi32, #tpu.memory_space<hbm>> -> memref<1x10080xi32, #tpu.memory_space<hbm>>
      %dma_wait3A_69 = tpu.memref_squeeze %dma_wait3A_68 : memref<1x10080xi32, #tpu.memory_space<hbm>> -> memref<10080xi32, #tpu.memory_space<hbm>>
      %dma_wait3A_70 = arith.constant 0 : i32
      %dma_wait3A_71 = tpu.memref_slice %arg4[%arg1, %dma_wait3A_70] : memref<16x10080xi32, #tpu.memory_space<hbm>> -> memref<1x10080xi32, #tpu.memory_space<hbm>>
      %dma_wait3A_72 = tpu.memref_squeeze %dma_wait3A_71 : memref<1x10080xi32, #tpu.memory_space<hbm>> -> memref<10080xi32, #tpu.memory_space<hbm>>
      tpu.wait_dma2 semaphore(%run_scoped3A : memref<!tpu.dma_semaphore, #tpu.memory_space<semaphore_mem>>) src(%dma_wait3A_72 : memref<10080xi32, #tpu.memory_space<hbm>>) dst(%arg8 : memref<10080xi32, #tpu.memory_space<vmem>>)
      tpu.yield
    }) : () -> ()
    "tpu.region"() ({
      %run_scoped3A = tpu.sem_alloc : memref<!tpu.dma_semaphore, #tpu.memory_space<semaphore_mem>>
      %dma_start3A = arith.constant 0 : i32
      %dma_start3A_63 = arith.constant 0 : i32
      %dma_start3A_64 = tpu.memref_slice %arg5[%arg1, %dma_start3A, %dma_start3A_63] : memref<16x90x112xi32, #tpu.memory_space<hbm>> -> memref<1x90x112xi32, #tpu.memory_space<hbm>>
      %dma_start3A_65 = tpu.memref_squeeze %dma_start3A_64 : memref<1x90x112xi32, #tpu.memory_space<hbm>> -> memref<90x112xi32, #tpu.memory_space<hbm>>
      %dma_start3A_66 = arith.constant 0 : i32
      %dma_start3A_67 = arith.constant 0 : i32
      %dma_start3A_68 = tpu.memref_slice %arg5[%arg1, %dma_start3A_66, %dma_start3A_67] : memref<16x90x112xi32, #tpu.memory_space<hbm>> -> memref<1x90x112xi32, #tpu.memory_space<hbm>>
      %dma_start3A_69 = tpu.memref_squeeze %dma_start3A_68 : memref<1x90x112xi32, #tpu.memory_space<hbm>> -> memref<90x112xi32, #tpu.memory_space<hbm>>
      tpu.enqueue_dma source(%dma_start3A_69 : memref<90x112xi32, #tpu.memory_space<hbm>>) target(%arg9 : memref<90x112xi32, #tpu.memory_space<vmem>>) target_semaphore(%run_scoped3A : memref<!tpu.dma_semaphore, #tpu.memory_space<semaphore_mem>>)
      %dma_wait3A = arith.constant 0 : i32
      %dma_wait3A_70 = arith.constant 0 : i32
      %dma_wait3A_71 = tpu.memref_slice %arg5[%arg1, %dma_wait3A, %dma_wait3A_70] : memref<16x90x112xi32, #tpu.memory_space<hbm>> -> memref<1x90x112xi32, #tpu.memory_space<hbm>>
      %dma_wait3A_72 = tpu.memref_squeeze %dma_wait3A_71 : memref<1x90x112xi32, #tpu.memory_space<hbm>> -> memref<90x112xi32, #tpu.memory_space<hbm>>
      %dma_wait3A_73 = arith.constant 0 : i32
      %dma_wait3A_74 = arith.constant 0 : i32
      %dma_wait3A_75 = tpu.memref_slice %arg5[%arg1, %dma_wait3A_73, %dma_wait3A_74] : memref<16x90x112xi32, #tpu.memory_space<hbm>> -> memref<1x90x112xi32, #tpu.memory_space<hbm>>
      %dma_wait3A_76 = tpu.memref_squeeze %dma_wait3A_75 : memref<1x90x112xi32, #tpu.memory_space<hbm>> -> memref<90x112xi32, #tpu.memory_space<hbm>>
      tpu.wait_dma2 semaphore(%run_scoped3A : memref<!tpu.dma_semaphore, #tpu.memory_space<semaphore_mem>>) src(%dma_wait3A_76 : memref<90x112xi32, #tpu.memory_space<hbm>>) dst(%arg9 : memref<90x112xi32, #tpu.memory_space<vmem>>)
      tpu.yield
    }) : () -> ()
    %barrier3A = arith.constant 0 : index
    tpu.barrier barrier_id(%barrier3A)
    %eq3A_21 = arith.constant 0 : i32
    %eq3A_22 = arith.cmpi eq, %arg0, %eq3A_21 : i32
    %convert_element_type3A_23 = arith.extui %eq3A_22 : i1 to i32
    %cond3A_24 = arith.constant 0 : i32
    %cond3A_25 = arith.cmpi ne, %convert_element_type3A_23, %cond3A_24 : i32
    scf.if %cond3A_25 {
      %multiple_of3A_63 = arith.constant 0 : i32
      %multiple_of3A_64 = tpu.assume_multiple %multiple_of3A_63, 8 : i32
      %dma_start3A = tpu.memref_slice %arg8[%multiple_of3A_64] : memref<10080xi32, #tpu.memory_space<vmem>> -> memref<112xi32, #tpu.memory_space<vmem>>
      %dma_start3A_65 = arith.constant 0 : i32
      %dma_start3A_66 = arith.constant 0 : i32
      %dma_start3A_67 = tpu.memref_slice %arg2[%dma_start3A_65, %dma_start3A_66] : memref<10016x128xf32, #tpu.memory_space<hbm>> -> memref<10016x128xf32, #tpu.memory_space<hbm>>
      tpu.enqueue_indirect_dma source(%dma_start3A_67 : memref<10016x128xf32, #tpu.memory_space<hbm>>) target(%arg10 : memref<112x128xf32, #tpu.memory_space<vmem>>) offsets(%dma_start3A : memref<112xi32, #tpu.memory_space<vmem>>) semaphore(%arg13 : memref<!tpu.dma_semaphore, #tpu.memory_space<semaphore_mem>>)
      %multiple_of3A_68 = arith.constant 112 : i32
      %multiple_of3A_69 = tpu.assume_multiple %multiple_of3A_68, 8 : i32
      %dma_start3A_70 = tpu.memref_slice %arg8[%multiple_of3A_69] : memref<10080xi32, #tpu.memory_space<vmem>> -> memref<112xi32, #tpu.memory_space<vmem>>
      %dma_start3A_71 = arith.constant 0 : i32
      %dma_start3A_72 = arith.constant 0 : i32
      %dma_start3A_73 = tpu.memref_slice %arg2[%dma_start3A_71, %dma_start3A_72] : memref<10016x128xf32, #tpu.memory_space<hbm>> -> memref<10016x128xf32, #tpu.memory_space<hbm>>
      tpu.enqueue_indirect_dma source(%dma_start3A_73 : memref<10016x128xf32, #tpu.memory_space<hbm>>) target(%arg11 : memref<112x128xf32, #tpu.memory_space<vmem>>) offsets(%dma_start3A_70 : memref<112xi32, #tpu.memory_space<vmem>>) semaphore(%arg14 : memref<!tpu.dma_semaphore, #tpu.memory_space<semaphore_mem>>)
      %scan3A_74 = arith.constant 0 : i32
      %scan3A_75 = arith.constant 0 : i32
      %scan3A_76 = arith.constant 45 : i32
      %scan3A_77 = arith.addi %scan3A_75, %scan3A_76 : i32
      %scan3A_78 = arith.constant 1 : i32
      scf.for %scan3A_80 = %scan3A_75 to %scan3A_77 step %scan3A_78  : i32 {
        %mul3A_81 = arith.constant 2 : i32
        %mul3A_82 = arith.muli %mul3A_81, %scan3A_80 : i32
        %dma_wait3A = arith.constant 0 : i32
        %dma_wait3A_83 = arith.constant 0 : i32
        %dma_wait3A_84 = tpu.memref_slice %arg2[%dma_wait3A, %dma_wait3A_83] : memref<10016x128xf32, #tpu.memory_space<hbm>> -> memref<112x128xf32, #tpu.memory_space<hbm>>
        %dma_wait3A_85 = arith.constant 0 : i32
        %dma_wait3A_86 = arith.constant 0 : i32
        %dma_wait3A_87 = tpu.memref_slice %arg2[%dma_wait3A_85, %dma_wait3A_86] : memref<10016x128xf32, #tpu.memory_space<hbm>> -> memref<112x128xf32, #tpu.memory_space<hbm>>
        tpu.wait_dma2 semaphore(%arg13 : memref<!tpu.dma_semaphore, #tpu.memory_space<semaphore_mem>>) src(%dma_wait3A_87 : memref<112x128xf32, #tpu.memory_space<hbm>>) dst(%arg10 : memref<112x128xf32, #tpu.memory_space<vmem>>)
        "tpu.region"() ({
          %run_scoped3A = tpu.sem_alloc : memref<!tpu.dma_semaphore, #tpu.memory_space<semaphore_mem>>
          %dma_start3A_106 = arith.constant 0 : i32
          %dma_start3A_107 = tpu.memref_slice %arg9[%mul3A_82, %dma_start3A_106] : memref<90x112xi32, #tpu.memory_space<vmem>> -> memref<1x112xi32, #tpu.memory_space<vmem>>
          %dma_start3A_108 = tpu.memref_squeeze %dma_start3A_107 : memref<1x112xi32, #tpu.memory_space<vmem>> -> memref<112xi32, #tpu.memory_space<vmem>>
          %dma_start3A_109 = arith.constant 0 : i32
          %dma_start3A_110 = arith.constant 0 : i32
          %dma_start3A_111 = tpu.memref_slice %arg12[%dma_start3A_109, %dma_start3A_110] : memref<10000x128xf32, #tpu.memory_space<vmem_shared>> -> memref<10000x128xf32, #tpu.memory_space<vmem_shared>>
          tpu.enqueue_indirect_dma source(%arg10 : memref<112x128xf32, #tpu.memory_space<vmem>>) target(%dma_start3A_111 : memref<10000x128xf32, #tpu.memory_space<vmem_shared>>) offsets(%dma_start3A_108 : memref<112xi32, #tpu.memory_space<vmem>>) semaphore(%run_scoped3A : memref<!tpu.dma_semaphore, #tpu.memory_space<semaphore_mem>>) {add = true}
          %dma_wait3A_112 = arith.constant 0 : i32
          %dma_wait3A_113 = tpu.memref_slice %arg9[%mul3A_82, %dma_wait3A_112] : memref<90x112xi32, #tpu.memory_space<vmem>> -> memref<1x112xi32, #tpu.memory_space<vmem>>
          %dma_wait3A_114 = tpu.memref_squeeze %dma_wait3A_113 : memref<1x112xi32, #tpu.memory_space<vmem>> -> memref<112xi32, #tpu.memory_space<vmem>>
          %dma_wait3A_115 = arith.constant 0 : i32
          %dma_wait3A_116 = arith.constant 0 : i32
          %dma_wait3A_117 = tpu.memref_slice %arg12[%dma_wait3A_115, %dma_wait3A_116] : memref<10000x128xf32, #tpu.memory_space<vmem_shared>> -> memref<10000x128xf32, #tpu.memory_space<vmem_shared>>
          tpu.wait_indirect_dma semaphore(%run_scoped3A : memref<!tpu.dma_semaphore, #tpu.memory_space<semaphore_mem>>) src(%arg10 : memref<112x128xf32, #tpu.memory_space<vmem>>) dst(%dma_wait3A_117 : memref<10000x128xf32, #tpu.memory_space<vmem_shared>>)
          tpu.yield
        }) : () -> ()
        %lt3A_88 = arith.constant 44 : i32
        %lt3A_89 = arith.cmpi slt, %scan3A_80, %lt3A_88 : i32
        %convert_element_type3A_90 = arith.extui %lt3A_89 : i1 to i32
        %cond3A_91 = arith.constant 0 : i32
        %cond3A_92 = arith.cmpi ne, %convert_element_type3A_90, %cond3A_91 : i32
        scf.if %cond3A_92 {
          %add3A_106 = arith.constant 2 : i32
          %add3A_107 = arith.addi %mul3A_82, %add3A_106 : i32
          %mul3A_108 = arith.constant 112 : i32
          %mul3A_109 = arith.muli %add3A_107, %mul3A_108 : i32
          %multiple_of3A_110 = tpu.assume_multiple %mul3A_109, 8 : i32
          %dma_start3A_111 = tpu.memref_slice %arg8[%multiple_of3A_110] : memref<10080xi32, #tpu.memory_space<vmem>> -> memref<112xi32, #tpu.memory_space<vmem>>
          %dma_start3A_112 = arith.constant 0 : i32
          %dma_start3A_113 = arith.constant 0 : i32
          %dma_start3A_114 = tpu.memref_slice %arg2[%dma_start3A_112, %dma_start3A_113] : memref<10016x128xf32, #tpu.memory_space<hbm>> -> memref<10016x128xf32, #tpu.memory_space<hbm>>
          tpu.enqueue_indirect_dma source(%dma_start3A_114 : memref<10016x128xf32, #tpu.memory_space<hbm>>) target(%arg10 : memref<112x128xf32, #tpu.memory_space<vmem>>) offsets(%dma_start3A_111 : memref<112xi32, #tpu.memory_space<vmem>>) semaphore(%arg13 : memref<!tpu.dma_semaphore, #tpu.memory_space<semaphore_mem>>)
        } else {
        }
        %dma_wait3A_93 = arith.constant 0 : i32
        %dma_wait3A_94 = arith.constant 0 : i32
        %dma_wait3A_95 = tpu.memref_slice %arg2[%dma_wait3A_93, %dma_wait3A_94] : memref<10016x128xf32, #tpu.memory_space<hbm>> -> memref<112x128xf32, #tpu.memory_space<hbm>>
        %dma_wait3A_96 = arith.constant 0 : i32
        %dma_wait3A_97 = arith.constant 0 : i32
        %dma_wait3A_98 = tpu.memref_slice %arg2[%dma_wait3A_96, %dma_wait3A_97] : memref<10016x128xf32, #tpu.memory_space<hbm>> -> memref<112x128xf32, #tpu.memory_space<hbm>>
        tpu.wait_dma2 semaphore(%arg14 : memref<!tpu.dma_semaphore, #tpu.memory_space<semaphore_mem>>) src(%dma_wait3A_98 : memref<112x128xf32, #tpu.memory_space<hbm>>) dst(%arg11 : memref<112x128xf32, #tpu.memory_space<vmem>>)
        %add3A_99 = arith.constant 1 : i32
        %add3A_100 = arith.addi %mul3A_82, %add3A_99 : i32
        "tpu.region"() ({
          %run_scoped3A = tpu.sem_alloc : memref<!tpu.dma_semaphore, #tpu.memory_space<semaphore_mem>>
          %dma_start3A_106 = arith.constant 0 : i32
          %dma_start3A_107 = tpu.memref_slice %arg9[%add3A_100, %dma_start3A_106] : memref<90x112xi32, #tpu.memory_space<vmem>> -> memref<1x112xi32, #tpu.memory_space<vmem>>
          %dma_start3A_108 = tpu.memref_squeeze %dma_start3A_107 : memref<1x112xi32, #tpu.memory_space<vmem>> -> memref<112xi32, #tpu.memory_space<vmem>>
          %dma_start3A_109 = arith.constant 0 : i32
          %dma_start3A_110 = arith.constant 0 : i32
          %dma_start3A_111 = tpu.memref_slice %arg12[%dma_start3A_109, %dma_start3A_110] : memref<10000x128xf32, #tpu.memory_space<vmem_shared>> -> memref<10000x128xf32, #tpu.memory_space<vmem_shared>>
          tpu.enqueue_indirect_dma source(%arg11 : memref<112x128xf32, #tpu.memory_space<vmem>>) target(%dma_start3A_111 : memref<10000x128xf32, #tpu.memory_space<vmem_shared>>) offsets(%dma_start3A_108 : memref<112xi32, #tpu.memory_space<vmem>>) semaphore(%run_scoped3A : memref<!tpu.dma_semaphore, #tpu.memory_space<semaphore_mem>>) {add = true}
          %dma_wait3A_112 = arith.constant 0 : i32
          %dma_wait3A_113 = tpu.memref_slice %arg9[%add3A_100, %dma_wait3A_112] : memref<90x112xi32, #tpu.memory_space<vmem>> -> memref<1x112xi32, #tpu.memory_space<vmem>>
          %dma_wait3A_114 = tpu.memref_squeeze %dma_wait3A_113 : memref<1x112xi32, #tpu.memory_space<vmem>> -> memref<112xi32, #tpu.memory_space<vmem>>
          %dma_wait3A_115 = arith.constant 0 : i32
          %dma_wait3A_116 = arith.constant 0 : i32
          %dma_wait3A_117 = tpu.memref_slice %arg12[%dma_wait3A_115, %dma_wait3A_116] : memref<10000x128xf32, #tpu.memory_space<vmem_shared>> -> memref<10000x128xf32, #tpu.memory_space<vmem_shared>>
          tpu.wait_indirect_dma semaphore(%run_scoped3A : memref<!tpu.dma_semaphore, #tpu.memory_space<semaphore_mem>>) src(%arg11 : memref<112x128xf32, #tpu.memory_space<vmem>>) dst(%dma_wait3A_117 : memref<10000x128xf32, #tpu.memory_space<vmem_shared>>)
          tpu.yield
        }) : () -> ()
        %lt3A_101 = arith.constant 44 : i32
        %lt3A_102 = arith.cmpi slt, %scan3A_80, %lt3A_101 : i32
        %convert_element_type3A_103 = arith.extui %lt3A_102 : i1 to i32
        %cond3A_104 = arith.constant 0 : i32
        %cond3A_105 = arith.cmpi ne, %convert_element_type3A_103, %cond3A_104 : i32
        scf.if %cond3A_105 {
          %add3A_106 = arith.constant 3 : i32
          %add3A_107 = arith.addi %mul3A_82, %add3A_106 : i32
          %mul3A_108 = arith.constant 112 : i32
          %mul3A_109 = arith.muli %add3A_107, %mul3A_108 : i32
          %multiple_of3A_110 = tpu.assume_multiple %mul3A_109, 8 : i32
          %dma_start3A_111 = tpu.memref_slice %arg8[%multiple_of3A_110] : memref<10080xi32, #tpu.memory_space<vmem>> -> memref<112xi32, #tpu.memory_space<vmem>>
          %dma_start3A_112 = arith.constant 0 : i32
          %dma_start3A_113 = arith.constant 0 : i32
          %dma_start3A_114 = tpu.memref_slice %arg2[%dma_start3A_112, %dma_start3A_113] : memref<10016x128xf32, #tpu.memory_space<hbm>> -> memref<10016x128xf32, #tpu.memory_space<hbm>>
          tpu.enqueue_indirect_dma source(%dma_start3A_114 : memref<10016x128xf32, #tpu.memory_space<hbm>>) target(%arg11 : memref<112x128xf32, #tpu.memory_space<vmem>>) offsets(%dma_start3A_111 : memref<112xi32, #tpu.memory_space<vmem>>) semaphore(%arg14 : memref<!tpu.dma_semaphore, #tpu.memory_space<semaphore_mem>>)
        } else {
        }
      }
      %scan3A_79 = arith.constant 45 : i32
    } else {
    }
    %eq3A_26 = arith.constant 1 : i32
    %eq3A_27 = arith.cmpi eq, %arg0, %eq3A_26 : i32
    %convert_element_type3A_28 = arith.extui %eq3A_27 : i1 to i32
    %cond3A_29 = arith.constant 0 : i32
    %cond3A_30 = arith.cmpi ne, %convert_element_type3A_28, %cond3A_29 : i32
    scf.if %cond3A_30 {
      %multiple_of3A_63 = arith.constant 0 : i32
      %multiple_of3A_64 = tpu.assume_multiple %multiple_of3A_63, 8 : i32
      %dma_start3A = tpu.memref_slice %arg8[%multiple_of3A_64] : memref<10080xi32, #tpu.memory_space<vmem>> -> memref<112xi32, #tpu.memory_space<vmem>>
      %dma_start3A_65 = arith.constant 0 : i32
      %dma_start3A_66 = arith.constant 0 : i32
      %dma_start3A_67 = tpu.memref_slice %arg3[%dma_start3A_65, %dma_start3A_66] : memref<10016x128xf32, #tpu.memory_space<hbm>> -> memref<10016x128xf32, #tpu.memory_space<hbm>>
      tpu.enqueue_indirect_dma source(%dma_start3A_67 : memref<10016x128xf32, #tpu.memory_space<hbm>>) target(%arg10 : memref<112x128xf32, #tpu.memory_space<vmem>>) offsets(%dma_start3A : memref<112xi32, #tpu.memory_space<vmem>>) semaphore(%arg13 : memref<!tpu.dma_semaphore, #tpu.memory_space<semaphore_mem>>)
      %multiple_of3A_68 = arith.constant 112 : i32
      %multiple_of3A_69 = tpu.assume_multiple %multiple_of3A_68, 8 : i32
      %dma_start3A_70 = tpu.memref_slice %arg8[%multiple_of3A_69] : memref<10080xi32, #tpu.memory_space<vmem>> -> memref<112xi32, #tpu.memory_space<vmem>>
      %dma_start3A_71 = arith.constant 0 : i32
      %dma_start3A_72 = arith.constant 0 : i32
      %dma_start3A_73 = tpu.memref_slice %arg3[%dma_start3A_71, %dma_start3A_72] : memref<10016x128xf32, #tpu.memory_space<hbm>> -> memref<10016x128xf32, #tpu.memory_space<hbm>>
      tpu.enqueue_indirect_dma source(%dma_start3A_73 : memref<10016x128xf32, #tpu.memory_space<hbm>>) target(%arg11 : memref<112x128xf32, #tpu.memory_space<vmem>>) offsets(%dma_start3A_70 : memref<112xi32, #tpu.memory_space<vmem>>) semaphore(%arg14 : memref<!tpu.dma_semaphore, #tpu.memory_space<semaphore_mem>>)
      %scan3A_74 = arith.constant 0 : i32
      %scan3A_75 = arith.constant 0 : i32
      %scan3A_76 = arith.constant 45 : i32
      %scan3A_77 = arith.addi %scan3A_75, %scan3A_76 : i32
      %scan3A_78 = arith.constant 1 : i32
      scf.for %scan3A_80 = %scan3A_75 to %scan3A_77 step %scan3A_78  : i32 {
        %mul3A_81 = arith.constant 2 : i32
        %mul3A_82 = arith.muli %mul3A_81, %scan3A_80 : i32
        %dma_wait3A = arith.constant 0 : i32
        %dma_wait3A_83 = arith.constant 0 : i32
        %dma_wait3A_84 = tpu.memref_slice %arg3[%dma_wait3A, %dma_wait3A_83] : memref<10016x128xf32, #tpu.memory_space<hbm>> -> memref<112x128xf32, #tpu.memory_space<hbm>>
        %dma_wait3A_85 = arith.constant 0 : i32
        %dma_wait3A_86 = arith.constant 0 : i32
        %dma_wait3A_87 = tpu.memref_slice %arg3[%dma_wait3A_85, %dma_wait3A_86] : memref<10016x128xf32, #tpu.memory_space<hbm>> -> memref<112x128xf32, #tpu.memory_space<hbm>>
        tpu.wait_dma2 semaphore(%arg13 : memref<!tpu.dma_semaphore, #tpu.memory_space<semaphore_mem>>) src(%dma_wait3A_87 : memref<112x128xf32, #tpu.memory_space<hbm>>) dst(%arg10 : memref<112x128xf32, #tpu.memory_space<vmem>>)
        "tpu.region"() ({
          %run_scoped3A = tpu.sem_alloc : memref<!tpu.dma_semaphore, #tpu.memory_space<semaphore_mem>>
          %dma_start3A_106 = arith.constant 0 : i32
          %dma_start3A_107 = tpu.memref_slice %arg9[%mul3A_82, %dma_start3A_106] : memref<90x112xi32, #tpu.memory_space<vmem>> -> memref<1x112xi32, #tpu.memory_space<vmem>>
          %dma_start3A_108 = tpu.memref_squeeze %dma_start3A_107 : memref<1x112xi32, #tpu.memory_space<vmem>> -> memref<112xi32, #tpu.memory_space<vmem>>
          %dma_start3A_109 = arith.constant 0 : i32
          %dma_start3A_110 = arith.constant 0 : i32
          %dma_start3A_111 = tpu.memref_slice %arg12[%dma_start3A_109, %dma_start3A_110] : memref<10000x128xf32, #tpu.memory_space<vmem_shared>> -> memref<10000x128xf32, #tpu.memory_space<vmem_shared>>
          tpu.enqueue_indirect_dma source(%arg10 : memref<112x128xf32, #tpu.memory_space<vmem>>) target(%dma_start3A_111 : memref<10000x128xf32, #tpu.memory_space<vmem_shared>>) offsets(%dma_start3A_108 : memref<112xi32, #tpu.memory_space<vmem>>) semaphore(%run_scoped3A : memref<!tpu.dma_semaphore, #tpu.memory_space<semaphore_mem>>) {add = true}
          %dma_wait3A_112 = arith.constant 0 : i32
          %dma_wait3A_113 = tpu.memref_slice %arg9[%mul3A_82, %dma_wait3A_112] : memref<90x112xi32, #tpu.memory_space<vmem>> -> memref<1x112xi32, #tpu.memory_space<vmem>>
          %dma_wait3A_114 = tpu.memref_squeeze %dma_wait3A_113 : memref<1x112xi32, #tpu.memory_space<vmem>> -> memref<112xi32, #tpu.memory_space<vmem>>
          %dma_wait3A_115 = arith.constant 0 : i32
          %dma_wait3A_116 = arith.constant 0 : i32
          %dma_wait3A_117 = tpu.memref_slice %arg12[%dma_wait3A_115, %dma_wait3A_116] : memref<10000x128xf32, #tpu.memory_space<vmem_shared>> -> memref<10000x128xf32, #tpu.memory_space<vmem_shared>>
          tpu.wait_indirect_dma semaphore(%run_scoped3A : memref<!tpu.dma_semaphore, #tpu.memory_space<semaphore_mem>>) src(%arg10 : memref<112x128xf32, #tpu.memory_space<vmem>>) dst(%dma_wait3A_117 : memref<10000x128xf32, #tpu.memory_space<vmem_shared>>)
          tpu.yield
        }) : () -> ()
        %lt3A_88 = arith.constant 44 : i32
        %lt3A_89 = arith.cmpi slt, %scan3A_80, %lt3A_88 : i32
        %convert_element_type3A_90 = arith.extui %lt3A_89 : i1 to i32
        %cond3A_91 = arith.constant 0 : i32
        %cond3A_92 = arith.cmpi ne, %convert_element_type3A_90, %cond3A_91 : i32
        scf.if %cond3A_92 {
          %add3A_106 = arith.constant 2 : i32
          %add3A_107 = arith.addi %mul3A_82, %add3A_106 : i32
          %mul3A_108 = arith.constant 112 : i32
          %mul3A_109 = arith.muli %add3A_107, %mul3A_108 : i32
          %multiple_of3A_110 = tpu.assume_multiple %mul3A_109, 8 : i32
          %dma_start3A_111 = tpu.memref_slice %arg8[%multiple_of3A_110] : memref<10080xi32, #tpu.memory_space<vmem>> -> memref<112xi32, #tpu.memory_space<vmem>>
          %dma_start3A_112 = arith.constant 0 : i32
          %dma_start3A_113 = arith.constant 0 : i32
          %dma_start3A_114 = tpu.memref_slice %arg3[%dma_start3A_112, %dma_start3A_113] : memref<10016x128xf32, #tpu.memory_space<hbm>> -> memref<10016x128xf32, #tpu.memory_space<hbm>>
          tpu.enqueue_indirect_dma source(%dma_start3A_114 : memref<10016x128xf32, #tpu.memory_space<hbm>>) target(%arg10 : memref<112x128xf32, #tpu.memory_space<vmem>>) offsets(%dma_start3A_111 : memref<112xi32, #tpu.memory_space<vmem>>) semaphore(%arg13 : memref<!tpu.dma_semaphore, #tpu.memory_space<semaphore_mem>>)
        } else {
        }
        %dma_wait3A_93 = arith.constant 0 : i32
        %dma_wait3A_94 = arith.constant 0 : i32
        %dma_wait3A_95 = tpu.memref_slice %arg3[%dma_wait3A_93, %dma_wait3A_94] : memref<10016x128xf32, #tpu.memory_space<hbm>> -> memref<112x128xf32, #tpu.memory_space<hbm>>
        %dma_wait3A_96 = arith.constant 0 : i32
        %dma_wait3A_97 = arith.constant 0 : i32
        %dma_wait3A_98 = tpu.memref_slice %arg3[%dma_wait3A_96, %dma_wait3A_97] : memref<10016x128xf32, #tpu.memory_space<hbm>> -> memref<112x128xf32, #tpu.memory_space<hbm>>
        tpu.wait_dma2 semaphore(%arg14 : memref<!tpu.dma_semaphore, #tpu.memory_space<semaphore_mem>>) src(%dma_wait3A_98 : memref<112x128xf32, #tpu.memory_space<hbm>>) dst(%arg11 : memref<112x128xf32, #tpu.memory_space<vmem>>)
        %add3A_99 = arith.constant 1 : i32
        %add3A_100 = arith.addi %mul3A_82, %add3A_99 : i32
        "tpu.region"() ({
          %run_scoped3A = tpu.sem_alloc : memref<!tpu.dma_semaphore, #tpu.memory_space<semaphore_mem>>
          %dma_start3A_106 = arith.constant 0 : i32
          %dma_start3A_107 = tpu.memref_slice %arg9[%add3A_100, %dma_start3A_106] : memref<90x112xi32, #tpu.memory_space<vmem>> -> memref<1x112xi32, #tpu.memory_space<vmem>>
          %dma_start3A_108 = tpu.memref_squeeze %dma_start3A_107 : memref<1x112xi32, #tpu.memory_space<vmem>> -> memref<112xi32, #tpu.memory_space<vmem>>
          %dma_start3A_109 = arith.constant 0 : i32
          %dma_start3A_110 = arith.constant 0 : i32
          %dma_start3A_111 = tpu.memref_slice %arg12[%dma_start3A_109, %dma_start3A_110] : memref<10000x128xf32, #tpu.memory_space<vmem_shared>> -> memref<10000x128xf32, #tpu.memory_space<vmem_shared>>
          tpu.enqueue_indirect_dma source(%arg11 : memref<112x128xf32, #tpu.memory_space<vmem>>) target(%dma_start3A_111 : memref<10000x128xf32, #tpu.memory_space<vmem_shared>>) offsets(%dma_start3A_108 : memref<112xi32, #tpu.memory_space<vmem>>) semaphore(%run_scoped3A : memref<!tpu.dma_semaphore, #tpu.memory_space<semaphore_mem>>) {add = true}
          %dma_wait3A_112 = arith.constant 0 : i32
          %dma_wait3A_113 = tpu.memref_slice %arg9[%add3A_100, %dma_wait3A_112] : memref<90x112xi32, #tpu.memory_space<vmem>> -> memref<1x112xi32, #tpu.memory_space<vmem>>
          %dma_wait3A_114 = tpu.memref_squeeze %dma_wait3A_113 : memref<1x112xi32, #tpu.memory_space<vmem>> -> memref<112xi32, #tpu.memory_space<vmem>>
          %dma_wait3A_115 = arith.constant 0 : i32
          %dma_wait3A_116 = arith.constant 0 : i32
          %dma_wait3A_117 = tpu.memref_slice %arg12[%dma_wait3A_115, %dma_wait3A_116] : memref<10000x128xf32, #tpu.memory_space<vmem_shared>> -> memref<10000x128xf32, #tpu.memory_space<vmem_shared>>
          tpu.wait_indirect_dma semaphore(%run_scoped3A : memref<!tpu.dma_semaphore, #tpu.memory_space<semaphore_mem>>) src(%arg11 : memref<112x128xf32, #tpu.memory_space<vmem>>) dst(%dma_wait3A_117 : memref<10000x128xf32, #tpu.memory_space<vmem_shared>>)
          tpu.yield
        }) : () -> ()
        %lt3A_101 = arith.constant 44 : i32
        %lt3A_102 = arith.cmpi slt, %scan3A_80, %lt3A_101 : i32
        %convert_element_type3A_103 = arith.extui %lt3A_102 : i1 to i32
        %cond3A_104 = arith.constant 0 : i32
        %cond3A_105 = arith.cmpi ne, %convert_element_type3A_103, %cond3A_104 : i32
        scf.if %cond3A_105 {
          %add3A_106 = arith.constant 3 : i32
          %add3A_107 = arith.addi %mul3A_82, %add3A_106 : i32
          %mul3A_108 = arith.constant 112 : i32
          %mul3A_109 = arith.muli %add3A_107, %mul3A_108 : i32
          %multiple_of3A_110 = tpu.assume_multiple %mul3A_109, 8 : i32
          %dma_start3A_111 = tpu.memref_slice %arg8[%multiple_of3A_110] : memref<10080xi32, #tpu.memory_space<vmem>> -> memref<112xi32, #tpu.memory_space<vmem>>
          %dma_start3A_112 = arith.constant 0 : i32
          %dma_start3A_113 = arith.constant 0 : i32
          %dma_start3A_114 = tpu.memref_slice %arg3[%dma_start3A_112, %dma_start3A_113] : memref<10016x128xf32, #tpu.memory_space<hbm>> -> memref<10016x128xf32, #tpu.memory_space<hbm>>
          tpu.enqueue_indirect_dma source(%dma_start3A_114 : memref<10016x128xf32, #tpu.memory_space<hbm>>) target(%arg11 : memref<112x128xf32, #tpu.memory_space<vmem>>) offsets(%dma_start3A_111 : memref<112xi32, #tpu.memory_space<vmem>>) semaphore(%arg14 : memref<!tpu.dma_semaphore, #tpu.memory_space<semaphore_mem>>)
        } else {
        }
      }
      %scan3A_79 = arith.constant 45 : i32
    } else {
    }
    %barrier3A_31 = arith.constant 0 : index
    tpu.barrier barrier_id(%barrier3A_31)
    %eq3A_32 = arith.constant 0 : i32
    %eq3A_33 = arith.cmpi eq, %arg0, %eq3A_32 : i32
    %lt3A_34 = arith.constant 15 : i32
    %lt3A_35 = arith.cmpi slt, %arg1, %lt3A_34 : i32
    %and3A = arith.andi %eq3A_33, %lt3A_35 : i1
    %convert_element_type3A_36 = arith.extui %and3A : i1 to i32
    %cond3A_37 = arith.constant 0 : i32
    %cond3A_38 = arith.cmpi ne, %convert_element_type3A_36, %cond3A_37 : i32
    scf.if %cond3A_38 {
      "tpu.region"() ({
        %run_scoped3A = tpu.sem_alloc : memref<!tpu.dma_semaphore, #tpu.memory_space<semaphore_mem>>
        %dma_start3A = arith.constant 0 : i32
        %dma_start3A_63 = tpu.memref_slice %arg6[%multiple_of3A, %dma_start3A] : memref<10000x128xf32, #tpu.memory_space<hbm>> -> memref<624x128xf32, #tpu.memory_space<hbm>>
        %dma_start3A_64 = arith.constant 0 : i32
        %dma_start3A_65 = tpu.memref_slice %arg12[%multiple_of3A, %dma_start3A_64] : memref<10000x128xf32, #tpu.memory_space<vmem_shared>> -> memref<624x128xf32, #tpu.memory_space<vmem_shared>>
        tpu.enqueue_dma source(%dma_start3A_65 : memref<624x128xf32, #tpu.memory_space<vmem_shared>>) target(%dma_start3A_63 : memref<624x128xf32, #tpu.memory_space<hbm>>) target_semaphore(%run_scoped3A : memref<!tpu.dma_semaphore, #tpu.memory_space<semaphore_mem>>)
        %dma_wait3A = arith.constant 0 : i32
        %dma_wait3A_66 = tpu.memref_slice %arg6[%multiple_of3A, %dma_wait3A] : memref<10000x128xf32, #tpu.memory_space<hbm>> -> memref<624x128xf32, #tpu.memory_space<hbm>>
        %dma_wait3A_67 = arith.constant 0 : i32
        %dma_wait3A_68 = tpu.memref_slice %arg12[%multiple_of3A, %dma_wait3A_67] : memref<10000x128xf32, #tpu.memory_space<vmem_shared>> -> memref<624x128xf32, #tpu.memory_space<vmem_shared>>
        tpu.wait_dma2 semaphore(%run_scoped3A : memref<!tpu.dma_semaphore, #tpu.memory_space<semaphore_mem>>) src(%dma_wait3A_68 : memref<624x128xf32, #tpu.memory_space<vmem_shared>>) dst(%dma_wait3A_66 : memref<624x128xf32, #tpu.memory_space<hbm>>)
        tpu.yield
      }) : () -> ()
    } else {
    }
    %eq3A_39 = arith.constant 0 : i32
    %eq3A_40 = arith.cmpi eq, %arg0, %eq3A_39 : i32
    %eq3A_41 = arith.constant 15 : i32
    %eq3A_42 = arith.cmpi eq, %arg1, %eq3A_41 : i32
    %and3A_43 = arith.andi %eq3A_40, %eq3A_42 : i1
    %convert_element_type3A_44 = arith.extui %and3A_43 : i1 to i32
    %cond3A_45 = arith.constant 0 : i32
    %cond3A_46 = arith.cmpi ne, %convert_element_type3A_44, %cond3A_45 : i32
    scf.if %cond3A_46 {
      "tpu.region"() ({
        %run_scoped3A = tpu.sem_alloc : memref<!tpu.dma_semaphore, #tpu.memory_space<semaphore_mem>>
        %dma_start3A = arith.constant 9360 : i32
        %dma_start3A_63 = arith.constant 0 : i32
        %dma_start3A_64 = tpu.memref_slice %arg6[%dma_start3A, %dma_start3A_63] : memref<10000x128xf32, #tpu.memory_space<hbm>> -> memref<640x128xf32, #tpu.memory_space<hbm>>
        %dma_start3A_65 = arith.constant 9360 : i32
        %dma_start3A_66 = arith.constant 0 : i32
        %dma_start3A_67 = tpu.memref_slice %arg12[%dma_start3A_65, %dma_start3A_66] : memref<10000x128xf32, #tpu.memory_space<vmem_shared>> -> memref<640x128xf32, #tpu.memory_space<vmem_shared>>
        tpu.enqueue_dma source(%dma_start3A_67 : memref<640x128xf32, #tpu.memory_space<vmem_shared>>) target(%dma_start3A_64 : memref<640x128xf32, #tpu.memory_space<hbm>>) target_semaphore(%run_scoped3A : memref<!tpu.dma_semaphore, #tpu.memory_space<semaphore_mem>>)
        %dma_wait3A = arith.constant 9360 : i32
        %dma_wait3A_68 = arith.constant 0 : i32
        %dma_wait3A_69 = tpu.memref_slice %arg6[%dma_wait3A, %dma_wait3A_68] : memref<10000x128xf32, #tpu.memory_space<hbm>> -> memref<640x128xf32, #tpu.memory_space<hbm>>
        %dma_wait3A_70 = arith.constant 9360 : i32
        %dma_wait3A_71 = arith.constant 0 : i32
        %dma_wait3A_72 = tpu.memref_slice %arg12[%dma_wait3A_70, %dma_wait3A_71] : memref<10000x128xf32, #tpu.memory_space<vmem_shared>> -> memref<640x128xf32, #tpu.memory_space<vmem_shared>>
        tpu.wait_dma2 semaphore(%run_scoped3A : memref<!tpu.dma_semaphore, #tpu.memory_space<semaphore_mem>>) src(%dma_wait3A_72 : memref<640x128xf32, #tpu.memory_space<vmem_shared>>) dst(%dma_wait3A_69 : memref<640x128xf32, #tpu.memory_space<hbm>>)
        tpu.yield
      }) : () -> ()
    } else {
    }
    %eq3A_47 = arith.constant 1 : i32
    %eq3A_48 = arith.cmpi eq, %arg0, %eq3A_47 : i32
    %lt3A_49 = arith.constant 15 : i32
    %lt3A_50 = arith.cmpi slt, %arg1, %lt3A_49 : i32
    %and3A_51 = arith.andi %eq3A_48, %lt3A_50 : i1
    %convert_element_type3A_52 = arith.extui %and3A_51 : i1 to i32
    %cond3A_53 = arith.constant 0 : i32
    %cond3A_54 = arith.cmpi ne, %convert_element_type3A_52, %cond3A_53 : i32
    scf.if %cond3A_54 {
      "tpu.region"() ({
        %run_scoped3A = tpu.sem_alloc : memref<!tpu.dma_semaphore, #tpu.memory_space<semaphore_mem>>
        %dma_start3A = arith.constant 0 : i32
        %dma_start3A_63 = tpu.memref_slice %arg7[%multiple_of3A, %dma_start3A] : memref<10000x128xf32, #tpu.memory_space<hbm>> -> memref<624x128xf32, #tpu.memory_space<hbm>>
        %dma_start3A_64 = arith.constant 0 : i32
        %dma_start3A_65 = tpu.memref_slice %arg12[%multiple_of3A, %dma_start3A_64] : memref<10000x128xf32, #tpu.memory_space<vmem_shared>> -> memref<624x128xf32, #tpu.memory_space<vmem_shared>>
        tpu.enqueue_dma source(%dma_start3A_65 : memref<624x128xf32, #tpu.memory_space<vmem_shared>>) target(%dma_start3A_63 : memref<624x128xf32, #tpu.memory_space<hbm>>) target_semaphore(%run_scoped3A : memref<!tpu.dma_semaphore, #tpu.memory_space<semaphore_mem>>)
        %dma_wait3A = arith.constant 0 : i32
        %dma_wait3A_66 = tpu.memref_slice %arg7[%multiple_of3A, %dma_wait3A] : memref<10000x128xf32, #tpu.memory_space<hbm>> -> memref<624x128xf32, #tpu.memory_space<hbm>>
        %dma_wait3A_67 = arith.constant 0 : i32
        %dma_wait3A_68 = tpu.memref_slice %arg12[%multiple_of3A, %dma_wait3A_67] : memref<10000x128xf32, #tpu.memory_space<vmem_shared>> -> memref<624x128xf32, #tpu.memory_space<vmem_shared>>
        tpu.wait_dma2 semaphore(%run_scoped3A : memref<!tpu.dma_semaphore, #tpu.memory_space<semaphore_mem>>) src(%dma_wait3A_68 : memref<624x128xf32, #tpu.memory_space<vmem_shared>>) dst(%dma_wait3A_66 : memref<624x128xf32, #tpu.memory_space<hbm>>)
        tpu.yield
      }) : () -> ()
    } else {
    }
    %eq3A_55 = arith.constant 1 : i32
    %eq3A_56 = arith.cmpi eq, %arg0, %eq3A_55 : i32
    %eq3A_57 = arith.constant 15 : i32
    %eq3A_58 = arith.cmpi eq, %arg1, %eq3A_57 : i32
    %and3A_59 = arith.andi %eq3A_56, %eq3A_58 : i1
    %convert_element_type3A_60 = arith.extui %and3A_59 : i1 to i32
    %cond3A_61 = arith.constant 0 : i32
    %cond3A_62 = arith.cmpi ne, %convert_element_type3A_60, %cond3A_61 : i32
    scf.if %cond3A_62 {
      "tpu.region"() ({
        %run_scoped3A = tpu.sem_alloc : memref<!tpu.dma_semaphore, #tpu.memory_space<semaphore_mem>>
        %dma_start3A = arith.constant 9360 : i32
        %dma_start3A_63 = arith.constant 0 : i32
        %dma_start3A_64 = tpu.memref_slice %arg7[%dma_start3A, %dma_start3A_63] : memref<10000x128xf32, #tpu.memory_space<hbm>> -> memref<640x128xf32, #tpu.memory_space<hbm>>
        %dma_start3A_65 = arith.constant 9360 : i32
        %dma_start3A_66 = arith.constant 0 : i32
        %dma_start3A_67 = tpu.memref_slice %arg12[%dma_start3A_65, %dma_start3A_66] : memref<10000x128xf32, #tpu.memory_space<vmem_shared>> -> memref<640x128xf32, #tpu.memory_space<vmem_shared>>
        tpu.enqueue_dma source(%dma_start3A_67 : memref<640x128xf32, #tpu.memory_space<vmem_shared>>) target(%dma_start3A_64 : memref<640x128xf32, #tpu.memory_space<hbm>>) target_semaphore(%run_scoped3A : memref<!tpu.dma_semaphore, #tpu.memory_space<semaphore_mem>>)
        %dma_wait3A = arith.constant 9360 : i32
        %dma_wait3A_68 = arith.constant 0 : i32
        %dma_wait3A_69 = tpu.memref_slice %arg7[%dma_wait3A, %dma_wait3A_68] : memref<10000x128xf32, #tpu.memory_space<hbm>> -> memref<640x128xf32, #tpu.memory_space<hbm>>
        %dma_wait3A_70 = arith.constant 9360 : i32
        %dma_wait3A_71 = arith.constant 0 : i32
        %dma_wait3A_72 = tpu.memref_slice %arg12[%dma_wait3A_70, %dma_wait3A_71] : memref<10000x128xf32, #tpu.memory_space<vmem_shared>> -> memref<640x128xf32, #tpu.memory_space<vmem_shared>>
        tpu.wait_dma2 semaphore(%run_scoped3A : memref<!tpu.dma_semaphore, #tpu.memory_space<semaphore_mem>>) src(%dma_wait3A_72 : memref<640x128xf32, #tpu.memory_space<vmem_shared>>) dst(%dma_wait3A_69 : memref<640x128xf32, #tpu.memory_space<hbm>>)
        tpu.yield
      }) : () -> ()
    } else {
    }
    return
  }
}

module attributes {stable_mosaic.version = 14 : i64} {
  func.func @_mm_body(%arg0: i32, %arg1: memref<2000x128xf32, #tpu.memory_space<vmem>>, %arg2: memref<2000x128xf32, #tpu.memory_space<vmem>>, %arg3: memref<256x128xf32, #tpu.memory_space<vmem>>, %arg4: memref<256x128xf32, #tpu.memory_space<vmem>>, %arg5: memref<1x256xf32, #tpu.memory_space<vmem>>, %arg6: memref<2000x256xf32, #tpu.memory_space<vmem>>) attributes {dimension_semantics = [#tpu.dimension_semantics<arbitrary>], iteration_bounds = array<i64: 5>, scalar_prefetch = 0 : i64, scratch_operands = 0 : i64, tpu.core_type = #tpu.core_type<tc>, window_params = [{transform_indices = @transform_0, window_bounds = array<i64: 2000, 128>}, {transform_indices = @transform_1, window_bounds = array<i64: 2000, 128>}, {pipeline_mode = #tpu.pipeline_mode<synchronous>, transform_indices = @transform_2, window_bounds = array<i64: 256, 128>}, {pipeline_mode = #tpu.pipeline_mode<synchronous>, transform_indices = @transform_3, window_bounds = array<i64: 256, 128>}, {pipeline_mode = #tpu.pipeline_mode<synchronous>, transform_indices = @transform_4, window_bounds = array<i64: 1, 256>}, {transform_indices = @transform_5, window_bounds = array<i64: 2000, 256>}]} {
    %get3A = arith.constant 0 : index
    %get3A_0 = arith.constant 0 : index
    %get3A_1 = vector.load %arg1[%get3A, %get3A_0] : memref<2000x128xf32, #tpu.memory_space<vmem>>, vector<2000x128xf32>
    %get3A_2 = arith.constant 0 : index
    %get3A_3 = arith.constant 0 : index
    %get3A_4 = vector.load %arg3[%get3A_2, %get3A_3] : memref<256x128xf32, #tpu.memory_space<vmem>>, vector<256x128xf32>
    %dot_general3A = arith.constant dense<0.000000e+00> : vector<2000x256xf32>
    %dot_general3A_5 = tpu.matmul %get3A_1, %get3A_4, %dot_general3A {dimension_numbers = #tpu.dot_dimension_numbers<[1], [1], [0], [0], [0, 0, 1, 0], [], []>, transpose_lhs_hint = false} : vector<2000x128xf32>, vector<256x128xf32>, vector<2000x256xf32> -> vector<2000x256xf32>
    %get3A_6 = arith.constant 0 : index
    %get3A_7 = arith.constant 0 : index
    %get3A_8 = vector.load %arg2[%get3A_6, %get3A_7] : memref<2000x128xf32, #tpu.memory_space<vmem>>, vector<2000x128xf32>
    %get3A_9 = arith.constant 0 : index
    %get3A_10 = arith.constant 0 : index
    %get3A_11 = vector.load %arg4[%get3A_9, %get3A_10] : memref<256x128xf32, #tpu.memory_space<vmem>>, vector<256x128xf32>
    %dot_general3A_12 = arith.constant dense<0.000000e+00> : vector<2000x256xf32>
    %dot_general3A_13 = tpu.matmul %get3A_8, %get3A_11, %dot_general3A_12 {dimension_numbers = #tpu.dot_dimension_numbers<[1], [1], [0], [0], [0, 0, 1, 0], [], []>, transpose_lhs_hint = false} : vector<2000x128xf32>, vector<256x128xf32>, vector<2000x256xf32> -> vector<2000x256xf32>
    %add3A = arith.addf %dot_general3A_5, %dot_general3A_13 : vector<2000x256xf32>
    %get3A_14 = arith.constant 0 : index
    %get3A_15 = arith.constant 0 : index
    %get3A_16 = vector.load %arg5[%get3A_14, %get3A_15] : memref<1x256xf32, #tpu.memory_space<vmem>>, vector<1x256xf32>
    %add3A_17 = vector.broadcast %get3A_16 : vector<1x256xf32> to vector<2000x256xf32>
    %add3A_18 = arith.addf %add3A, %add3A_17 : vector<2000x256xf32>
    %max3A = arith.constant 0.000000e+00 : f32
    %max3A_19 = vector.broadcast %max3A : f32 to vector<2000x256xf32>
    %max3A_20 = arith.maximumf %add3A_18, %max3A_19 : vector<2000x256xf32>
    %swap3A = arith.constant 0 : index
    %swap3A_21 = arith.constant 0 : index
    %swap3A_22 = vector.load %arg6[%swap3A, %swap3A_21] : memref<2000x256xf32, #tpu.memory_space<vmem>>, vector<2000x256xf32>
    tpu.vector_store %arg6[%swap3A, %swap3A_21], %max3A_20 {strides = array<i32>} : memref<2000x256xf32, #tpu.memory_space<vmem>>, vector<2000x256xf32>,
    return
  }
  func.func @transform_0(%arg0: i32) -> (i32, i32) {
    %c0_i32 = arith.constant 0 : i32
    %c0_i32_0 = arith.constant 0 : i32
    return %arg0, %c0_i32 : i32, i32
  }
  func.func @transform_1(%arg0: i32) -> (i32, i32) {
    %c0_i32 = arith.constant 0 : i32
    %c0_i32_0 = arith.constant 0 : i32
    return %arg0, %c0_i32 : i32, i32
  }
  func.func @transform_2(%arg0: i32) -> (i32, i32) {
    %c0_i32 = arith.constant 0 : i32
    %c0_i32_0 = arith.constant 0 : i32
    %c0_i32_1 = arith.constant 0 : i32
    return %c0_i32, %c0_i32_0 : i32, i32
  }
  func.func @transform_3(%arg0: i32) -> (i32, i32) {
    %c0_i32 = arith.constant 0 : i32
    %c0_i32_0 = arith.constant 0 : i32
    %c0_i32_1 = arith.constant 0 : i32
    return %c0_i32, %c0_i32_0 : i32, i32
  }
  func.func @transform_4(%arg0: i32) -> (i32, i32) {
    %c0_i32 = arith.constant 0 : i32
    %c0_i32_0 = arith.constant 0 : i32
    %c0_i32_1 = arith.constant 0 : i32
    return %c0_i32, %c0_i32_0 : i32, i32
  }
  func.func @transform_5(%arg0: i32) -> (i32, i32) {
    %c0_i32 = arith.constant 0 : i32
    %c0_i32_0 = arith.constant 0 : i32
    return %arg0, %c0_i32 : i32, i32
  }
}

</mosaic_0001>

<sc_bundles>
// kernel: kernel.4.cloned.1.call-start
scs
__scs_entry_jumppad:
0x0: {  	(pc) =	sbr.rel $0x88, $3  }
0x1: {  	(tag) =	ssettag $0x0;
	lr =	simm.s32 $0x1  }
0x2: {  	[smem:$0x3F9D] =	sst lr;
	_ =	strace $0xD0000000  }
0x3: {  	_ = 	snop  }
0x4: {  	_ = 	snop  }
0x5: {  	_ = 	snop  }
0x6: {  	_ = 	snop  }
0x7: {  	_ = 	snop  }
__scs_overlays_trampoline_lowered:
0x8: {  	[smem:$0x3FAC] =	sst s0  }
0x9: {  	[smem:$0x3FAD] =	sst s1  }
0xa: {  	[smem:$0x3FAE] =	sst s2  }
0xb: {  	[smem:$0x3FAF] =	sst s3  }
0xc: {  	[smem:$0x3FB0] =	sst s4  }
0xd: {  	[smem:$0x3FB1] =	sst s5  }
0xe: {  	[smem:$0x3FB2] =	sst s6  }
0xf: {  	[smem:$0x3FB3] =	sst s7  }
0x10: {  	[smem:$0x3FB4] =	sst s8  }
0x11: {  	[smem:$0x3FB5] =	sst s9;
	s0 =	simm.s32 @!p0 $0x0  }
0x12: {  	s1 =	sld [smem:$0x3F9B];
	s0 =	simm.s32 @p0 $0x1  }
0x13: {  	[smem:$0x3FB6] =	sst s0;
	s0 =	simm.s32 @!p1 $0x0  }
0x14: {  	s2 =	sld [smem:$0x3F9A];
	s0 =	simm.s32 @p1 $0x1  }
0x15: {  	[smem:$0x3FB7] =	sst s0;
	s0 =	simm.s32 @!p2 $0x0  }
0x16: {  	s3 =	sld [smem:$0x3FDB];
	s0 =	simm.s32 @p2 $0x1  }
0x17: {  	s4 =	simm.s32 $0x1BF5;
	[smem:$0x3FB9] =	sst s0  }
0x18: {  	s0 =	sld [smem:$0x3F9C];
	_ =	swait.ge [sflag:s4], $0x0  }
0x19: {  	s7 =	sld [smem:$0x3F9D]  }
0x1a: {  	s8 =	sadd.s32 $0xFFFFE003, lr  }
0x1b: {  	s9 =	sadd.s32 $0xFFFFFEF7, lr;
	s5 =	simm.s32 $0xFFFFFFFF;
	p2 =	slt.u32 s8, $0xFFFFF086  }
0x1c: {  	p1 =	slt.u32 s9, $0xF7A;
	s5 =	simm.s32 @!p2 $0x0  }
0x1d: {  	s5 =	simm.s32 @p1 $0x1;
	p0 =	seq.s32 s7, s2  }
0x1e: {  	s7 =	smul.u32 @!p0 $0xF7A, s2;
	p2 =	seq.s32 @!p0 s5, $0x0  }
0x1f: {  	s9 =	smul.u32 $0xF7A, s1;
	s8 =	simm.s32 @!p0 $0x1BF5;
	p2 =	por !p2, p0  }
0x20: {  	[sflag:s8] =	ssyncset.s32 @!p0 $0xFFFFF086;
	s6 =	sadd.s32 @!p0 s3, s7;
	s7 =	simm.s32 @!p0 $0x108  }
0x21: {  	s3 =	sadd.s32 s3, s9;
	s6 =	sadd.s32 @!p0 $0x88, s6;
	s7 =	simm.s32 @p2 $0x1082  }
0x22: {  	[simem:s7], [sflag:s8] =	dma.local @!p0 [hbm:s6], $0xF7A  }
0x23: {  	s9 =	sor.u32 $0xD0000000, s2;
	s6 =	simm.s32 $0x108;
	_ =	swait.ge @!p0 [sflag:s8], $0x0  }
0x24: {  	s3 =	sadd.s32 $0x88, s3;
	s6 =	simm.s32 @!p1 $0x1082;
	[sflag:s4] =	ssyncset.s32 $0xFFFFF086  }
0x25: {  	[simem:s6], [sflag:s4] =	dma.local [hbm:s3], $0xF7A  }
0x26: {  	[smem:$0x3F9D] =	sst s1;
	(tag) =	ssettag s2;
	_ =	strace s9  }
0x27: {  	s1 =	sld [smem:$0x3FAD]  }
0x28: {  	s2 =	sld [smem:$0x3FAE]  }
0x29: {  	s4 =	sld [smem:$0x3FB0]  }
0x2a: {  	p0 =	seq.s32 s5, $0x0;
	s5 =	sld [smem:$0x3FB1]  }
0x2b: {  	s6 =	sld [smem:$0x3FB2]  }
0x2c: {  	s7 =	sld [smem:$0x3FB3]  }
0x2d: {  	s3 =	simm.s32 $0x108;
	s8 =	sld [smem:$0x3FB4]  }
0x2e: {  	s3 =	simm.s32 @!p0 $0x1082;
	s9 =	sld [smem:$0x3FB5]  }
0x2f: {  	lr =	sadd.s32 s0, s3;
	s0 =	sld [smem:$0x3FAC]  }
0x30: {  	s3 =	sld [smem:$0x3FAF]  }
0x31: {  	[smem:$0x3FB8] =	sst s10  }
0x32: {  	s10 =	sld [smem:$0x3FB6];
	_ =	sdelay $0x3  }
0x33: {  	p0 =	seq.s32 s10, $0x1;
	s10 =	sld [smem:$0x3FB8];
	_ =	sdelay $0x3  }
0x34: {  	[smem:$0x3FB8] =	sst s10  }
0x35: {  	s10 =	sld [smem:$0x3FB7];
	_ =	sdelay $0x3  }
0x36: {  	p1 =	seq.s32 s10, $0x1;
	s10 =	sld [smem:$0x3FB8];
	_ =	sdelay $0x3  }
0x37: {  	[smem:$0x3FB8] =	sst s10  }
0x38: {  	s10 =	sld [smem:$0x3FB9]  }
0x39: {  	_ = 	snop;
	(pc) =	sbr.ind lr, $3  }
0x3a: {  	_ = 	snop  }
0x3b: {  	_ = 	snop  }
0x3c: {  	p2 =	seq.s32 s10, $0x1;
	s10 =	sld [smem:$0x3FB8]  }
0x3d: {  	_ =	shalt  }
0x3e: {  	_ =	shalt  }
0x3f: {  	_ =	shalt  }
0x40: {  	_ =	shalt  }
0x41: {  	_ =	shalt  }
0x42: {  	_ =	shalt  }
0x43: {  	_ =	shalt  }
0x44: {  	_ =	shalt  }
0x45: {  	_ =	shalt  }
0x46: {  	_ =	shalt  }
0x47: {  	_ =	shalt  }
0x48: {  	_ =	shalt  }
0x49: {  	_ =	shalt  }
0x4a: {  	_ =	shalt  }
0x4b: {  	_ =	shalt  }
0x4c: {  	_ =	shalt  }
0x4d: {  	_ =	shalt  }
0x4e: {  	_ =	shalt  }
0x4f: {  	_ =	shalt  }
0x50: {  	_ =	shalt  }
0x51: {  	_ =	shalt  }
0x52: {  	_ =	shalt  }
0x53: {  	_ =	shalt  }
0x54: {  	_ =	shalt  }
0x55: {  	_ =	shalt  }
0x56: {  	_ =	shalt  }
0x57: {  	_ =	shalt  }
0x58: {  	_ =	shalt  }
0x59: {  	_ =	shalt  }
0x5a: {  	_ =	shalt  }
0x5b: {  	_ =	shalt  }
0x5c: {  	_ =	shalt  }
0x5d: {  	_ =	shalt  }
0x5e: {  	_ =	shalt  }
0x5f: {  	_ =	shalt  }
0x60: {  	_ =	shalt  }
0x61: {  	_ =	shalt  }
0x62: {  	_ =	shalt  }
0x63: {  	_ =	shalt  }
0x64: {  	_ =	shalt  }
0x65: {  	_ =	shalt  }
0x66: {  	_ =	shalt  }
0x67: {  	_ =	shalt  }
0x68: {  	_ =	shalt  }
0x69: {  	_ =	shalt  }
0x6a: {  	_ =	shalt  }
0x6b: {  	_ =	shalt  }
0x6c: {  	_ =	shalt  }
0x6d: {  	_ =	shalt  }
0x6e: {  	_ =	shalt  }
0x6f: {  	_ =	shalt  }
0x70: {  	_ =	shalt  }
0x71: {  	_ =	shalt  }
0x72: {  	_ =	shalt  }
0x73: {  	_ =	shalt  }
0x74: {  	_ =	shalt  }
0x75: {  	_ =	shalt  }
0x76: {  	_ =	shalt  }
0x77: {  	_ =	shalt  }
0x78: {  	_ =	shalt  }
0x79: {  	_ =	shalt  }
0x7a: {  	_ =	shalt  }
0x7b: {  	_ =	shalt  }
0x7c: {  	_ =	shalt  }
0x7d: {  	_ =	shalt  }
0x7e: {  	_ =	shalt  }
0x7f: {  	_ =	shalt  }
0x80: {  	_ =	shalt  }
0x81: {  	_ =	shalt  }
0x82: {  	_ =	shalt  }
0x83: {  	_ =	shalt  }
0x84: {  	_ =	shalt  }
0x85: {  	_ =	shalt  }
0x86: {  	_ =	shalt  }
0x87: {  	_ =	shalt  }
.Lfunc_end0:
.L_simem_size_0:
called_computation_lowered:
.L_overlay_start_0:
0x88: {  	s2 =	sld [smem:$0x3FD9]  }
0x89: {  	s3 =	sld [smem:$0x3FFE];
	_ =	sdelay $0x1  }
0x8a: {  	s1 =	srdreg.scid  }
0x8b: {  	s0 =	sand.u32 $0x1, s1  }
0x8c: {  	s17 =	sshll.u32 s0, $0xA;
	s2 =	sadd.s32 s3, s2  }
0x8d: {  	s2 =	sadd.s32 s2, s17  }
0x8e: {  	[smem:$0x3FC4] =	sst s2  }
0x8f: {  	_ = 	snop  }
0x90: {  	s2 =	sld [smem:$0x3FD0];
	(tm) =	ssettm $0x1  }
0x91: {  	s18 =	sld [smem:$0x3FFB];
	_ =	sdelay $0x3  }
0x92: {  	_ =	strace s18  }
0x93: {  	s3 =	sld [smem:$0x3FFC];
	_ =	sdelay $0x3  }
0x94: {  	_ =	strace s3  }
0x95: {  	s3 =	sld [smem:$0x3FFD];
	_ =	sdelay $0x3  }
0x96: {  	_ =	strace s3  }
0x97: {  	_ =	strace $0x8FFFFFFF  }
0x98: {  	s19 =	sld [smem:$0x3FDB];
	_ =	sdelay $0x1  }
0x99: {  	s4 =	simm.s32 $_scs_section_size  }
0x9a: {  	s5 =	simm.s32 $_size__tile_overlayer_lowered;
	s6 =	simm.s32 $_tile_overlayer_lowered  }
0x9b: {  	s22 =	simm.s32 $0x1BFF;
	s21 =	sshll.u32 s6, $0x1;
	s3 =	sadd.s32 s4, s19  }
0x9c: {  	s7 =	simm.s32 $0x0;
	s20 =	sshll.u32 s5, $0x1;
	s5 =	sadd.s32 s21, s3  }
0x9d: {  	[timem:s7], [sflag:s22] =	dma.local [hbm:s5], s20  }
0x9e: {  	_ =	swait.ge [sflag:s22], s20  }
0x9f: {  	s4 =	ssub.s32 $0x0, s20;
	[sflag:s22] =	ssyncset.done $0x0  }
0xa0: {  	[sflag:s22] =	ssyncadd.s32 s4;
	_ =	sdelay $0x1  }
0xa1: {  	s23 =	simm.s32 $0x1B8B  }
0xa2: {  	_ =	swait.ge [sflag:s23], $0x1  }
0xa3: {  	[sflag:s23] =	ssyncset.done $0x0  }
0xa4: {  	s25 =	simm.s32 $0x1B8E;
	s24 =	sld [smem:$0x3FFE];
	[sflag:s23] =	ssyncadd.s32 $0xFFFFFFFF  }
0xa5: {  	s26 =	simm.s32 $execute0_lowered;
	[smem:$0x3FD2] =	sst s25  }
0xa6: {  	s5 =	sshll.u32 s26, $0x1;
	_ =	strace $0x80000046;
	[dreg:$0x1] =	wrdreg $0xFFFFFFFF  }
0xa7: {  	s28 =	simm.s32 $_size_execute0_lowered;
	s3 =	sadd.s32 s3, s5;
	[dreg:$0x0] =	wrdreg $0x0  }
0xa8: {  	s5 =	sshll.u32 s28, $0x1;
	[dreg:$0x2] =	wrdreg s3  }
0xa9: {  	[dreg:$0x3] =	wrdreg s5  }
0xaa: {  	[dreg:$0x4] =	wrdreg $0xC0  }
0xab: {  	_ =	task [dreg:s7], $0x5FFFF  }
0xac: {  	[dreg:$0x1] =	wrdreg $0xFFFFFFFF  }
0xad: {  	[dreg:$0x0] =	wrdreg $0x60  }
0xae: {  	[dreg:$0x2] =	wrdreg s2  }
0xaf: {  	[dreg:$0x3] =	wrdreg s24  }
0xb0: {  	[dreg:$0x4] =	wrdreg $0xC7800  }
0xb1: {  	[dreg:$0x5] =	wrdreg $0x9  }
0xb2: {  	_ =	task.clear_ibuf [dreg:s7], $0x6FFFF;
	_ =	strace $0x90000046  }
0xb3: {  	s29 =	simm.s32 $0x9;
	_ =	strace $0x80000048  }
0xb4: {  	_ =	swait.ge [sflag:s29], $0x1  }
0xb5: {  	[sflag:s29] =	ssyncadd.s32 $0xFFFFFFFF  }
0xb6: {  	_ =	strace $0x90000048  }
0xb7: {  	_ =	sfence  }
0xb8: {  	s30 =	sld [smem:$0x0];
	_ =	sdelay $0x2  }
0xb9: {  	s31 =	sshll.u32 s1, $0xD;
	s1 =	sshrl.u32 s1, $0x2  }
0xba: {  	s3 =	sand.u32 $0x4000, s31;
	s1 =	sadd.s32 s1, s30  }
0xbb: {  	s0 =	sor.u32 s3, s0;
	s1 =	sshll.u32 s1, $0x11  }
0xbc: {  	s0 =	sor.u32 s1, s0  }
0xbd: {  	s0 =	sadd.s32 $0x8F2B, s0  }
0xbe: {  	[sflag:s0] =	ssyncadd.remote.s32 $0x1  }
0xbf: {  	_ =	sfence.sel $0xFFFF  }
0xc0: {  	[dreg:$0x0] =	wrdreg $0xFFFFFFFF;
	(pc) =	sbr.abs _section_cstart, $3  }
0xc1: {  	[dreg:$0x1] =	wrdreg $0xFFFFFFFF  }
0xc2: {  	_ =	task.clear_ibuf [dreg:s7], $0x2FFFF;
	_ =	strace $0x9FFFFFFF  }
0xc3: {  	(tm) =	ssettm $0x7FFFFFFF  }
tec
execute0_lowered:
.L_overlay_start_1:
0x0: {  	(tag) =	ssettag $0x1  }
0x1: {  	s2 =	rddreg [dreg:$0x0]  }
0x2: {  	s0 =	rddreg [dreg:$0x1]  }
0x3: {  	s3 =	rddreg [dreg:$0x2]  }
0x4: {  	s1 =	stileid.u32;
	s4 =	simm.s32 $0x0;
	s25 =	srdreg.scid  }
0x5: {  	s21 =	simm.s32 $0x5780;
	s22 =	simm.s32 $0x3;
	s28 =	simm.s32 $0x8F80  }
0x6: {  	s29 =	simm.s32 $0x1;
	s30 =	simm.s32 $0x2;
	s8 =	smul.u32 $0x4E000, s1  }
0x7: {  	s5 =	sshrl.u32 s1, $0x3;
	s24 =	sshll.u32 s1, $0x7;
	s26 =	smul.u32 $0x600, s1  }
0x8: {  	[smem:$0x7FF] =	sst s4;
	s23 =	sand.u32 $0x1, s25;
	s31 =	smul.u32 $0x2700, s1  }
0x9: {  	p0 =	seq.s32 s1, $0xF;
	p3 =	sne.s32 s1, $0xF;
	s11 =	sadd.s32 $0x136000, s3  }
0xa: {  	s17 =	sadd.s32 $0x124800, s3;
	s18 =	sadd.s32 $0x57900, s0;
	s19 =	sadd.s32 $0x7EB00, s0  }
0xb: {  	s6 =	smul.u32 $0x13C00, s5;
	s7 =	sand.u32 $0x380, s24;
	_ =	strace $0x80000047  }
0xc: {  	s5 =	sadd.s32 $0xE00, s0;
	s9 =	ssub.s32 $0x2, s23;
	p4 =	seq.s32 s23, $0x0  }
0xd: {  	p1 =	seq.s32 s23, $0x1;
	s8 =	sshrl.u32 s8, $0x2;
	s14 =	sadd.s32 s26, s0  }
0xe: {  	s10 =	sshrl.u32 s9, $0x1;
	s16 =	sadd.s32 s31, s0;
	p2 =	por !p4, !p3  }
0xf: {  	p4 =	por !p4, !p0;
	p5 =	por !p3, !p1;
	p6 =	por !p1, !p0  }
0x10: {  	s26 =	simm.s32 $0x70;
	s6 =	sor.u32 s7, s6;
	s20 =	ssub.s32 s9, s10  }
0x11: {  	s14 =	sadd.s32 $0x28000, s14;
	p2 =	por !p2, !p2;
	s15 =	sadd.s32 $0x33000, s16  }
0x12: {  	p3 =	por !p4, !p4;
	p5 =	por !p5, !p5;
	s16 =	sadd.s32 $0x5A200, s16  }
0x13: {  	p4 =	por !p6, !p6;
	p6 =	sne.s32 s23, $0x0;
	s23 =	simm.s32 $0x0  }
.Ltmp0:
0x14: {  	s6 =	sshrl.u32 s6, $0x3;
	s20 =	smax.u32 s20, $0x1;
	(pc) =	sbr.rel .LBB2_1-.Ltmp0, $4  }
0x15: {  	s13 =	sadd.s32 s6, s0;
	s6 =	sadd.s32 s8, s3;
	s0 =	simm.s32 @!p6 $0x0  }
0x16: {  	s7 =	sadd.s32 $0x3800, s6;
	s8 =	sadd.s32 $0x7000, s6;
	s9 =	sadd.s32 $0xA800, s6  }
0x17: {  	s10 =	sadd.s32 $0xE000, s6;
	s12 =	sadd.s32 $0x11800, s6;
	s0 =	simm.s32 @p6 $0x1  }
0x18: {  	v0 =	vimm.f32 $0.0e+00;
	s13 =	sadd.s32 $0x2E000, s13;
	p6 =	por !p5, p3;
	[smem:$0x7FD] =	sst s0  }
.LBB2_10:
0x19: {  	[tilespmem:s28], [sflag:$0x2] =	stream.indirect.gather [hbm4b:s5+s26], $0x80, s24, s26, $0xb8;
	v63 =	vld [tilespmem:$0x0]  }
0x1a: {  	_ =	swait.ge [sflag:s29], $0x3800  }
0x1b: {  	[sflag:s29] =	ssyncset.done $0x0  }
0x1c: {  	s0 =	simm.s32 $0x5380;
	[sflag:s29] =	ssyncadd.s32 $0xFFFFC800  }
0x1d: {  	[spmem:s3] =	stream.indirect.scatter.add.f32 [tilespmem:s21], [sflag:$0x3], $0x80, s0, s26, $0xb8;
	v63 =	vld [tilespmem:$0x0]  }
0x1e: {  	_ =	swait.ge [sflag:s22], $0x3800  }
0x1f: {  	[sflag:s22] =	ssyncset.done $0x0  }
0x20: {  	[sflag:s22] =	ssyncadd.s32 $0xFFFFC800  }
0x21: {  	_ =	swait.ge [sflag:s30], $0x3800  }
0x22: {  	[sflag:s30] =	ssyncset.done $0x0  }
0x23: {  	s31 =	simm.s32 $0x5400;
	[sflag:s30] =	ssyncadd.s32 $0xFFFFC800  }
0x24: {  	[spmem:s3] =	stream.indirect.scatter.add.f32 [tilespmem:s28], [sflag:$0x3], $0x80, s31, s26, $0xb8;
	v63 =	vld [tilespmem:$0x0]  }
0x25: {  	_ =	swait.ge [sflag:s22], $0x3800  }
0x26: {  	[sflag:s22] =	ssyncset.done $0x0  }
0x27: {  	[sflag:s22] =	ssyncadd.s32 $0xFFFFC800  }
.LBB2_11:
0x28: {  	s0 =	sshll.u32 @p2 s1, $0x6  }
0x29: {  	[bflag:$0x0] =	sbarrier.arrive $0xFFFF;
	s4 =	sshrl.u32 @p2 s6, $0x3;
	s0 =	sor.u32 @p2 $0x1C03, s0  }
0x2a: {  	[hbm:s15], [sflag:s0] =	dma.local @p2 [spmem:s4], $0x2700  }
0x2b: {  	s0 =	simm.s32 @p2 $0x3  }
0x2c: {  	_ =	swait.ge @p2 [sflag:s0], $0x2700  }
0x2d: {  	s4 =	sshll.u32 @!p6 s1, $0x6;
	[sflag:s0] =	ssyncset.done @p2 $0x0  }
0x2e: {  	[sflag:s0] =	ssyncadd.s32 @p2 $0xFFFFD900;
	s0 =	sor.u32 @!p6 $0x1C03, s4;
	s4 =	sshrl.u32 @!p6 s6, $0x3  }
0x2f: {  	[hbm:s16], [sflag:s0] =	dma.local @!p6 [spmem:s4], $0x2700  }
0x30: {  	s0 =	simm.s32 @!p6 $0x3  }
0x31: {  	_ =	swait.ge @!p6 [sflag:s0], $0x2700  }
0x32: {  	[sflag:s0] =	ssyncset.done @!p6 $0x0  }
0x33: {  	s4 =	simm.s32 @p3 $0x1FC3;
	[sflag:s0] =	ssyncadd.s32 @!p6 $0xFFFFD900;
	s0 =	sshrl.u32 @p3 s17, $0x3  }
0x34: {  	[hbm:s18], [sflag:s4] =	dma.local @p3 [spmem:s0], $0x2800  }
0x35: {  	s0 =	simm.s32 @p3 $0x3  }
0x36: {  	s23 =	sadd.s32 $0x1, s23;
	_ =	swait.ge @p3 [sflag:s0], $0x2800  }
0x37: {  	p5 =	sne.s32 s23, s20;
	[sflag:s0] =	ssyncset.done @p3 $0x0  }
0x38: {  	s4 =	simm.s32 @p4 $0x1FC3;
	[sflag:s0] =	ssyncadd.s32 @p3 $0xFFFFD800;
	s0 =	sshrl.u32 @p4 s17, $0x3  }
0x39: {  	[hbm:s19], [sflag:s4] =	dma.local @p4 [spmem:s0], $0x2800  }
.Ltmp1:
0x3a: {  	_ = 	snop;
	(pc) =	sbr.rel @!p5 .LBB2_12-.Ltmp1, $4  }
0x3b: {  	s0 =	simm.s32 @p4 $0x3  }
0x3c: {  	_ =	swait.ge @p4 [sflag:s0], $0x2800  }
0x3d: {  	[sflag:s0] =	ssyncset.done @p4 $0x0  }
0x3e: {  	[sflag:s0] =	ssyncadd.s32 @p4 $0xFFFFD800  }
.LBB2_1:
0x3f: {  	s24 =	simm.s32 $0x0;
	s25 =	simm.s32 $0x200  }
.LBB2_2:
0x40: {  	p5 =	sne.s32 s25, $0xDE00;
	[tilespmem:s24+$0x57F0] =	vst v0  }
0x41: {  	[tilespmem:s24+$0x5780] =	vst v0  }
0x42: {  	[tilespmem:s24+$0x5790] =	vst v0  }
.Ltmp2:
0x43: {  	[tilespmem:s24+$0x57A0] =	vst v0;
	(pc) =	sbr.rel @p5 .LBB2_2-.Ltmp2, $4  }
0x44: {  	[tilespmem:s24+$0x57B0] =	vst v0  }
0x45: {  	[tilespmem:s24+$0x57C0] =	vst v0  }
0x46: {  	[tilespmem:s24+$0x57D0] =	vst v0  }
0x47: {  	[tilespmem:s24+$0x57E0] =	vst v0;
	s24 =	sshra.s32 s25, $0x2;
	s25 =	sadd.s32 $0x200, s25  }
0x48: {  	[tilespmem:s24+$0x57F0] =	vst v0  }
0x49: {  	[tilespmem:s24+$0x5780] =	vst v0  }
0x4a: {  	[tilespmem:s24+$0x5790] =	vst v0  }
0x4b: {  	[tilespmem:s24+$0x57A0] =	vst v0  }
0x4c: {  	[tilespmem:s24+$0x57B0] =	vst v0  }
0x4d: {  	[tilespmem:s24+$0x57C0] =	vst v0  }
0x4e: {  	[tilespmem:s24+$0x57D0] =	vst v0  }
0x4f: {  	[tilespmem:s24+$0x57E0] =	vst v0  }
0x50: {  	[spmem:s6] =	stream.linear.scatter [tilespmem:s21], [sflag:$0x3], $0x3800, $0x38;
	v63 =	vld [tilespmem:$0x0]  }
0x51: {  	_ =	swait.ge [sflag:s22], $0x3800  }
0x52: {  	[sflag:s22] =	ssyncset.done $0x0  }
0x53: {  	[sflag:s22] =	ssyncadd.s32 $0xFFFFC800  }
0x54: {  	[spmem:s7] =	stream.linear.scatter [tilespmem:s21], [sflag:$0x3], $0x3800, $0x38;
	v63 =	vld [tilespmem:$0x0]  }
0x55: {  	_ =	swait.ge [sflag:s22], $0x3800  }
0x56: {  	[sflag:s22] =	ssyncset.done $0x0  }
0x57: {  	[sflag:s22] =	ssyncadd.s32 $0xFFFFC800  }
0x58: {  	[spmem:s8] =	stream.linear.scatter [tilespmem:s21], [sflag:$0x3], $0x3800, $0x38;
	v63 =	vld [tilespmem:$0x0]  }
0x59: {  	_ =	swait.ge [sflag:s22], $0x3800  }
0x5a: {  	[sflag:s22] =	ssyncset.done $0x0  }
0x5b: {  	[sflag:s22] =	ssyncadd.s32 $0xFFFFC800  }
0x5c: {  	[spmem:s9] =	stream.linear.scatter [tilespmem:s21], [sflag:$0x3], $0x3800, $0x38;
	v63 =	vld [tilespmem:$0x0]  }
0x5d: {  	_ =	swait.ge [sflag:s22], $0x3800  }
0x5e: {  	[sflag:s22] =	ssyncset.done $0x0  }
0x5f: {  	[sflag:s22] =	ssyncadd.s32 $0xFFFFC800  }
0x60: {  	[spmem:s10] =	stream.linear.scatter [tilespmem:s21], [sflag:$0x3], $0x3800, $0x38;
	v63 =	vld [tilespmem:$0x0]  }
0x61: {  	_ =	swait.ge [sflag:s22], $0x3800  }
0x62: {  	[sflag:s22] =	ssyncset.done $0x0  }
0x63: {  	s24 =	simm.s32 @p0 $0x5780;
	[sflag:s22] =	ssyncadd.s32 $0xFFFFC800  }
0x64: {  	[spmem:s11] =	stream.linear.scatter @p0 [tilespmem:s24], [sflag:$0x3], $0x2800, $0x38;
	v63 =	vld [tilespmem:$0x0]  }
0x65: {  	s24 =	simm.s32 @p0 $0x3  }
0x66: {  	_ =	swait.ge @p0 [sflag:s24], $0x2800  }
0x67: {  	[sflag:s24] =	ssyncset.done @p0 $0x0  }
0x68: {  	[sflag:s24] =	ssyncadd.s32 @p0 $0xFFFFD800;
	s24 =	simm.s32 @!p0 $0x5780  }
0x69: {  	[spmem:s12] =	stream.linear.scatter @!p0 [tilespmem:s24], [sflag:$0x3], $0x2000, $0x38;
	v63 =	vld [tilespmem:$0x0]  }
0x6a: {  	s24 =	simm.s32 @!p0 $0x3  }
0x6b: {  	_ =	swait.ge @!p0 [sflag:s24], $0x2000  }
0x6c: {  	s0 =	simm.s32 $0x0;
	[sflag:s24] =	ssyncset.done @!p0 $0x0  }
0x6d: {  	s4 =	simm.s32 $0x80;
	s31 =	simm.s32 $0x400;
	[sflag:s24] =	ssyncadd.s32 @!p0 $0xFFFFE000  }
0x6e: {  	[tilespmem:s0], [sflag:$0x3] =	stream.strided.gather [hbm4b:s13+s4], $0x2780, s31, s4, $0x38;
	v63 =	vld [tilespmem:$0x0]  }
0x6f: {  	_ =	swait.ge [sflag:s22], $0x2780  }
0x70: {  	[sflag:s22] =	ssyncset.done $0x0  }
0x71: {  	s25 =	simm.s32 $0x2780;
	[sflag:s22] =	ssyncadd.s32 $0xFFFFD880  }
0x72: {  	[tilespmem:s25], [sflag:$0x3] =	stream.linear.gather [hbm4b:s14+s0], $0x2D00, $0x38;
	v63 =	vld [tilespmem:$0x0]  }
0x73: {  	_ =	swait.ge [sflag:s22], $0x2D00  }
0x74: {  	[sflag:s22] =	ssyncset.done $0x0  }
0x75: {  	[sflag:s22] =	ssyncadd.s32 $0xFFFFD300  }
0x76: {  	[bflag:$0x0] =	sbarrier.arrive $0xFFFF  }
0x77: {  	s31 =	sld [smem:$0x7FD];
	_ =	sdelay $0x2  }
0x78: {  	p5 =	seq.s32 s31, $0x1  }
.Ltmp3:
0x79: {  	_ = 	snop;
	(pc) =	sbr.rel @p5 .LBB2_7-.Ltmp3, $1  }
0x7a: {  	_ =	sdelay $0x3  }
0x7b: {  	s24 =	simm.s32 $0x0  }
0x7c: {  	[tilespmem:s21], [sflag:$0x1] =	stream.indirect.gather [hbm4b:s2+s26], $0x80, s24, s26, $0xb8;
	v63 =	vld [tilespmem:$0x0]  }
0x7d: {  	_ = 	snop  }
0x7e: {  	[tilespmem:s28], [sflag:$0x2] =	stream.indirect.gather [hbm4b:s2+s26], $0x80, s26, s26, $0xb8;
	v63 =	vld [tilespmem:$0x0]  }
0x7f: {  	_ =	swait.ge [sflag:s29], $0x3800  }
0x80: {  	[sflag:s29] =	ssyncset.done $0x0  }
0x81: {  	s0 =	simm.s32 $0x2780;
	[sflag:s29] =	ssyncadd.s32 $0xFFFFC800  }
0x82: {  	[spmem:s3] =	stream.indirect.scatter.add.f32 [tilespmem:s21], [sflag:$0x3], $0x80, s0, s26, $0xb8;
	v63 =	vld [tilespmem:$0x0]  }
0x83: {  	_ =	swait.ge [sflag:s22], $0x3800  }
0x84: {  	[sflag:s22] =	ssyncset.done $0x0  }
0x85: {  	s4 =	simm.s32 $0xE0;
	[sflag:s22] =	ssyncadd.s32 $0xFFFFC800  }
0x86: {  	[tilespmem:s21], [sflag:$0x1] =	stream.indirect.gather [hbm4b:s2+s26], $0x80, s4, s26, $0xb8;
	v63 =	vld [tilespmem:$0x0]  }
0x87: {  	_ =	swait.ge [sflag:s30], $0x3800  }
0x88: {  	[sflag:s30] =	ssyncset.done $0x0  }
0x89: {  	s25 =	simm.s32 $0x2800;
	[sflag:s30] =	ssyncadd.s32 $0xFFFFC800  }
0x8a: {  	[spmem:s3] =	stream.indirect.scatter.add.f32 [tilespmem:s28], [sflag:$0x3], $0x80, s25, s26, $0xb8;
	v63 =	vld [tilespmem:$0x0]  }
0x8b: {  	_ =	swait.ge [sflag:s22], $0x3800  }
0x8c: {  	s31 =	simm.s32 $0x230;
	[sflag:s22] =	ssyncset.done $0x0  }
0x8d: {  	s24 =	simm.s32 $0x150;
	s25 =	simm.s32 $0x400;
	[sflag:s22] =	ssyncadd.s32 $0xFFFFC800  }
.LBB2_5:
0x8e: {  	[tilespmem:s28], [sflag:$0x2] =	stream.indirect.gather [hbm4b:s2+s26], $0x80, s24, s26, $0xb8;
	v63 =	vld [tilespmem:$0x0]  }
0x8f: {  	s0 =	smov.u32 s25;
	s24 =	smov.u32 s31  }
0x90: {  	p5 =	sne.s32 s25, $0xAC00;
	s25 =	sadd.s32 $0x400, s25;
	_ =	swait.ge [sflag:s29], $0x3800  }
0x91: {  	s0 =	sshra.s32 s0, $0x2;
	[sflag:s29] =	ssyncset.done $0x0  }
0x92: {  	s4 =	sadd.s32 $0x2780, s0;
	[sflag:s29] =	ssyncadd.s32 $0xFFFFC800  }
0x93: {  	[spmem:s3] =	stream.indirect.scatter.add.f32 [tilespmem:s21], [sflag:$0x3], $0x80, s4, s26, $0xb8;
	v63 =	vld [tilespmem:$0x0]  }
0x94: {  	_ =	swait.ge [sflag:s22], $0x3800  }
0x95: {  	[sflag:s22] =	ssyncset.done $0x0  }
0x96: {  	s4 =	sadd.s32 $0xFFFFFF90, s31;
	[sflag:s22] =	ssyncadd.s32 $0xFFFFC800  }
0x97: {  	[tilespmem:s21], [sflag:$0x1] =	stream.indirect.gather [hbm4b:s2+s26], $0x80, s4, s26, $0xb8;
	v63 =	vld [tilespmem:$0x0]  }
0x98: {  	_ =	swait.ge [sflag:s30], $0x3800  }
0x99: {  	[sflag:s30] =	ssyncset.done $0x0  }
.Ltmp4:
0x9a: {  	s0 =	sadd.s32 $0x2800, s0;
	[sflag:s30] =	ssyncadd.s32 $0xFFFFC800;
	(pc) =	sbr.rel @p5 .LBB2_5-.Ltmp4, $4  }
0x9b: {  	[spmem:s3] =	stream.indirect.scatter.add.f32 [tilespmem:s28], [sflag:$0x3], $0x80, s0, s26, $0xb8;
	v63 =	vld [tilespmem:$0x0]  }
0x9c: {  	_ =	swait.ge [sflag:s22], $0x3800  }
0x9d: {  	[sflag:s22] =	ssyncset.done $0x0  }
0x9e: {  	s31 =	sadd.s32 $0xE0, s31;
	[sflag:s22] =	ssyncadd.s32 $0xFFFFC800  }
0x9f: {  	[tilespmem:s28], [sflag:$0x2] =	stream.indirect.gather [hbm4b:s2+s26], $0x80, s24, s26, $0xb8;
	v63 =	vld [tilespmem:$0x0]  }
0xa0: {  	_ =	swait.ge [sflag:s29], $0x3800  }
0xa1: {  	[sflag:s29] =	ssyncset.done $0x0  }
0xa2: {  	s0 =	simm.s32 $0x5380;
	[sflag:s29] =	ssyncadd.s32 $0xFFFFC800  }
0xa3: {  	[spmem:s3] =	stream.indirect.scatter.add.f32 [tilespmem:s21], [sflag:$0x3], $0x80, s0, s26, $0xb8;
	v63 =	vld [tilespmem:$0x0]  }
0xa4: {  	_ =	swait.ge [sflag:s22], $0x3800  }
0xa5: {  	[sflag:s22] =	ssyncset.done $0x0  }
0xa6: {  	[sflag:s22] =	ssyncadd.s32 $0xFFFFC800  }
0xa7: {  	_ =	swait.ge [sflag:s30], $0x3800  }
0xa8: {  	[sflag:s30] =	ssyncset.done $0x0  }
0xa9: {  	s31 =	simm.s32 $0x5400;
	[sflag:s30] =	ssyncadd.s32 $0xFFFFC800  }
0xaa: {  	[spmem:s3] =	stream.indirect.scatter.add.f32 [tilespmem:s28], [sflag:$0x3], $0x80, s31, s26, $0xb8;
	v63 =	vld [tilespmem:$0x0]  }
0xab: {  	_ =	swait.ge [sflag:s22], $0x3800  }
0xac: {  	[sflag:s22] =	ssyncset.done $0x0  }
0xad: {  	[sflag:s22] =	ssyncadd.s32 $0xFFFFC800  }
.LBB2_7:
.Ltmp5:
0xae: {  	(pc) =	sbr.rel @!p1 .LBB2_11-.Ltmp5, $1  }
0xaf: {  	_ =	sdelay $0x3  }
0xb0: {  	s0 =	simm.s32 $0x0  }
0xb1: {  	[tilespmem:s21], [sflag:$0x1] =	stream.indirect.gather [hbm4b:s5+s26], $0x80, s0, s26, $0xb8;
	v63 =	vld [tilespmem:$0x0]  }
0xb2: {  	_ = 	snop  }
0xb3: {  	[tilespmem:s28], [sflag:$0x2] =	stream.indirect.gather [hbm4b:s5+s26], $0x80, s26, s26, $0xb8;
	v63 =	vld [tilespmem:$0x0]  }
0xb4: {  	_ =	swait.ge [sflag:s29], $0x3800  }
0xb5: {  	[sflag:s29] =	ssyncset.done $0x0  }
0xb6: {  	s4 =	simm.s32 $0x2780;
	[sflag:s29] =	ssyncadd.s32 $0xFFFFC800  }
0xb7: {  	[spmem:s3] =	stream.indirect.scatter.add.f32 [tilespmem:s21], [sflag:$0x3], $0x80, s4, s26, $0xb8;
	v63 =	vld [tilespmem:$0x0]  }
0xb8: {  	_ =	swait.ge [sflag:s22], $0x3800  }
0xb9: {  	[sflag:s22] =	ssyncset.done $0x0  }
0xba: {  	s24 =	simm.s32 $0xE0;
	[sflag:s22] =	ssyncadd.s32 $0xFFFFC800  }
0xbb: {  	[tilespmem:s21], [sflag:$0x1] =	stream.indirect.gather [hbm4b:s5+s26], $0x80, s24, s26, $0xb8;
	v63 =	vld [tilespmem:$0x0]  }
0xbc: {  	_ =	swait.ge [sflag:s30], $0x3800  }
0xbd: {  	[sflag:s30] =	ssyncset.done $0x0  }
0xbe: {  	s25 =	simm.s32 $0x2800;
	[sflag:s30] =	ssyncadd.s32 $0xFFFFC800  }
0xbf: {  	[spmem:s3] =	stream.indirect.scatter.add.f32 [tilespmem:s28], [sflag:$0x3], $0x80, s25, s26, $0xb8;
	v63 =	vld [tilespmem:$0x0]  }
0xc0: {  	_ =	swait.ge [sflag:s22], $0x3800  }
0xc1: {  	s31 =	simm.s32 $0x230;
	[sflag:s22] =	ssyncset.done $0x0  }
0xc2: {  	s24 =	simm.s32 $0x150;
	s25 =	simm.s32 $0x400;
	[sflag:s22] =	ssyncadd.s32 $0xFFFFC800  }
.LBB2_9:
0xc3: {  	[tilespmem:s28], [sflag:$0x2] =	stream.indirect.gather [hbm4b:s5+s26], $0x80, s24, s26, $0xb8;
	v63 =	vld [tilespmem:$0x0]  }
0xc4: {  	s0 =	smov.u32 s25;
	s24 =	smov.u32 s31  }
0xc5: {  	p5 =	sne.s32 s25, $0xAC00;
	s25 =	sadd.s32 $0x400, s25;
	_ =	swait.ge [sflag:s29], $0x3800  }
0xc6: {  	s0 =	sshra.s32 s0, $0x2;
	[sflag:s29] =	ssyncset.done $0x0  }
0xc7: {  	s4 =	sadd.s32 $0x2780, s0;
	[sflag:s29] =	ssyncadd.s32 $0xFFFFC800  }
0xc8: {  	[spmem:s3] =	stream.indirect.scatter.add.f32 [tilespmem:s21], [sflag:$0x3], $0x80, s4, s26, $0xb8;
	v63 =	vld [tilespmem:$0x0]  }
0xc9: {  	_ =	swait.ge [sflag:s22], $0x3800  }
0xca: {  	[sflag:s22] =	ssyncset.done $0x0  }
0xcb: {  	s4 =	sadd.s32 $0xFFFFFF90, s31;
	[sflag:s22] =	ssyncadd.s32 $0xFFFFC800  }
0xcc: {  	[tilespmem:s21], [sflag:$0x1] =	stream.indirect.gather [hbm4b:s5+s26], $0x80, s4, s26, $0xb8;
	v63 =	vld [tilespmem:$0x0]  }
0xcd: {  	_ =	swait.ge [sflag:s30], $0x3800  }
0xce: {  	[sflag:s30] =	ssyncset.done $0x0  }
.Ltmp6:
0xcf: {  	s0 =	sadd.s32 $0x2800, s0;
	[sflag:s30] =	ssyncadd.s32 $0xFFFFC800;
	(pc) =	sbr.rel @p5 .LBB2_9-.Ltmp6, $4  }
0xd0: {  	[spmem:s3] =	stream.indirect.scatter.add.f32 [tilespmem:s28], [sflag:$0x3], $0x80, s0, s26, $0xb8;
	v63 =	vld [tilespmem:$0x0]  }
0xd1: {  	_ =	swait.ge [sflag:s22], $0x3800  }
0xd2: {  	[sflag:s22] =	ssyncset.done $0x0  }
0xd3: {  	s31 =	sadd.s32 $0xE0, s31;
	[sflag:s22] =	ssyncadd.s32 $0xFFFFC800  }
.Ltmp7:
0xd4: {  	_ = 	snop;
	(pc) =	sbr.rel .LBB2_10-.Ltmp7, $1  }
0xd5: {  	_ =	sdelay $0x3  }
.LBB2_12:
0xd6: {  	_ =	sfence.sel $0x180000  }
0xd7: {  	[bflag:$0x0] =	sbarrier.arrive $0xFFFF  }
0xd8: {  	_ =	strace $0x90000047  }
0xd9: {  	[bflag:$0x2] =	sbarrier.arrive $0xFFFF  }
0xda: {  	p0 =	sne.s32 s1, $0x0;
	s0 =	rddreg [dreg:$0x3]  }
0xdb: {  	s0 =	sadd.s32 @!p0 $0x100000, s0  }
0xdc: {  	[sflag:s0] =	ssyncadd.tile.s32 @!p0 $0x1;
	_ =	shalt  }
.Lfunc_end2:
_tile_overlayer_lowered:
.L_overlay_start_2:
0xdd: {  	(tag) =	ssettag $0x2  }
0xde: {  	s0 =	rddreg [dreg:$0x0];
	s2 =	stileid.u32  }
0xdf: {  	s1 =	rddreg [dreg:$0x1];
	p0 =	sne.s32 s2, $0x0  }
0xe0: {  	s3 =	rddreg [dreg:$0x2];
	[bflag:$0x3] =	sbarrier.arrive $0xFFFF;
	s2 =	simm.s32 @!p0 $0x1C03  }
0xe1: {  	[timem:s3], [sflag:s2] =	dma.local @!p0 [hbm:s0], s1  }
0xe2: {  	s0 =	simm.s32 @!p0 $0x3  }
0xe3: {  	_ =	swait.ge @!p0 [sflag:s0], s1  }
0xe4: {  	s1 =	ssub.s32 @!p0 $0x0, s1;
	[sflag:s0] =	ssyncset.done @!p0 $0x0  }
0xe5: {  	[sflag:s0] =	ssyncadd.s32 @!p0 s1  }
0xe6: {  	[bflag:$0x3] =	sbarrier.arrive $0xFFFF  }
0xe7: {  	_ =	shalt  }

</sc_bundles>
